<compile_context>
chip_gen: v7x
topology: tpu7x:2x2x1
jax: 0.10.2.dev20260603
libtpu: 0.0.44.dev20260713+nightly
codegen_flags: <defaults>
</compile_context>

<pallas_src>
import functools

import jax
import jax.numpy as jnp
from jax import lax
from jax.experimental import pallas as pl
from jax.experimental.pallas import tpu as pltpu
from jax.experimental.pallas import tpu_sc as plsc

_NCLS = 21
_NBINS = _NCLS * _NCLS
_BINS_PAD = 512
_NROWS = 32 * 512
_NW = 32
_ROWS_W = _NROWS // _NW
_CROWS = 32
_CHUNK = _CROWS * 512
_NCHUNK = _ROWS_W // _CROWS
_UNROLL = 12


def _sc_hist_kernel(pr_hbm, gt_hbm, out_hbm, pr_v, gt_v, hist_v, red_v,
                    sp0, sp1, sg0, sg1):
    wid = lax.axis_index("s") * 2 + lax.axis_index("c")
    row_base = wid * _ROWS_W

    zeros16 = jnp.zeros((16,), jnp.int32)
    ones16 = jnp.ones((16,), jnp.int32)
    lane_base = lax.iota(jnp.int32, 16) * _BINS_PAD

    @plsc.parallel_loop(0, (16 * _BINS_PAD) // 16, 1, unroll=8)
    def z_body(i):
        hist_v[pl.ds(i * 16, 16)] = zeros16

    def start(ci, b):
        r0 = row_base + ci * _CROWS
        sp = (sp0, sp1)[b]
        sg = (sg0, sg1)[b]
        pltpu.make_async_copy(
            pr_hbm.at[pl.ds(r0, _CROWS), :], pr_v.at[b], sp).start()
        pltpu.make_async_copy(
            gt_hbm.at[pl.ds(r0, _CROWS), :], gt_v.at[b], sg).start()

    def wait(b):
        sp = (sp0, sp1)[b]
        sg = (sg0, sg1)[b]
        pltpu.make_async_copy(
            pr_hbm.at[pl.ds(row_base, _CROWS), :], pr_v.at[b], sp).wait()
        pltpu.make_async_copy(
            gt_hbm.at[pl.ds(row_base, _CROWS), :], gt_v.at[b], sg).wait()

    def compute(b):
        @plsc.parallel_loop(0, _CHUNK // 16, 1, unroll=_UNROLL)
        def inner(i):
            r = lax.shift_right_logical(i, 5)
            c = lax.shift_left(lax.bitwise_and(i, 31), 4)
            p = pr_v[b, r, pl.ds(c, 16)]
            g = gt_v[b, r, pl.ds(c, 16)]
            idx = lane_base + g * _NCLS + p
            plsc.addupdate_scatter(hist_v, [idx], ones16)

    start(0, 0)

    def outer(i, c):
        ci = i * 2
        start(ci + 1, 1)
        wait(0)
        compute(0)

        @pl.when(i < _NCHUNK // 2 - 1)
        def _():
            start(ci + 2, 0)

        wait(1)
        compute(1)
        return c

    lax.fori_loop(0, _NCHUNK // 2, outer, 0)

    @plsc.parallel_loop(0, _BINS_PAD // 16, 1, unroll=2)
    def red_body(j):
        acc = hist_v[pl.ds(j * 16, 16)]
        for l in range(1, 16):
            acc = acc + hist_v[pl.ds(l * _BINS_PAD + j * 16, 16)]
        red_v[pl.ds(j * 16, 16)] = acc

    pltpu.sync_copy(red_v, out_hbm.at[wid])


def _metric_body(h_ref, o_ref):
    x = h_ref[...]
    conf = jnp.sum(x, axis=0, keepdims=True).astype(jnp.float32)

    bb = lax.broadcasted_iota(jnp.int32, (32, _BINS_PAD), 1)
    cc = lax.broadcasted_iota(jnp.int32, (32, _BINS_PAD), 0)
    gg = bb // _NCLS
    pp = bb - gg * _NCLS
    vmask = bb < _NBINS

    confb = jnp.broadcast_to(conf, (32, _BINS_PAD))
    zero = jnp.zeros((32, _BINS_PAD), jnp.float32)
    row = jnp.sum(jnp.where(vmask & (gg == cc), confb, zero), axis=1,
                  keepdims=True)
    col = jnp.sum(jnp.where(vmask & (pp == cc), confb, zero), axis=1,
                  keepdims=True)
    tp = jnp.sum(jnp.where(vmask & (gg == cc) & (pp == cc), confb, zero),
                 axis=1, keepdims=True)
    total = jnp.sum(conf)

    fp = col - tp
    fn = row - tp
    tn = total - tp - fn - fp
    pa = (tp + tn) / total
    cls_valid = row > 0
    pa_sum = jnp.sum(jnp.where(cls_valid, pa, jnp.zeros_like(pa)))
    n_valid = jnp.sum(cls_valid.astype(jnp.float32))
    o_ref[0, 0] = pa_sum / n_valid


@jax.jit
def kernel(y_pr, y_gt):
    pr = y_pr.reshape(_NROWS, 512).astype(jnp.int32)
    gt = y_gt.reshape(_NROWS, 512).astype(jnp.int32)

    mesh = plsc.VectorSubcoreMesh(core_axis_name="c", subcore_axis_name="s")
    hist = functools.partial(
        pl.kernel,
        mesh=mesh,
        compiler_params=pltpu.CompilerParams(
            needs_layout_passes=False, skip_device_barrier=True),
        out_type=jax.ShapeDtypeStruct((_NW, _BINS_PAD), jnp.int32),
        scratch_types=[
            pltpu.VMEM((2, _CROWS, 512), jnp.int32),
            pltpu.VMEM((2, _CROWS, 512), jnp.int32),
            pltpu.VMEM((16 * _BINS_PAD,), jnp.int32),
            pltpu.VMEM((_BINS_PAD,), jnp.int32),
            pltpu.SemaphoreType.DMA,
            pltpu.SemaphoreType.DMA,
            pltpu.SemaphoreType.DMA,
            pltpu.SemaphoreType.DMA,
        ],
    )(_sc_hist_kernel)(pr, gt)

    out = pl.pallas_call(
        _metric_body,
        out_shape=jax.ShapeDtypeStruct((1, 1), jnp.float32),
        out_specs=pl.BlockSpec(memory_space=pltpu.SMEM),
    )(hist)
    return out[0, 0]

# --- scband reference (transcript-rebuilt; emitter-appended) ---
"""Pipeline reference for scband-mpametric-39651138076850 (READ-ONLY COPY).

The authoritative reference and input builder live on the scoring server;
editing this copy changes nothing except your own understanding.
"""

import jax, jax.numpy as jnp
import numpy as np

NUM_CLASSES = 21

def setup_inputs(seed: int = 0) -> dict:
    key = jax.random.key(seed)
    k1, k2 = jax.random.split(key)
    y_pr = jax.random.randint(k1, (32, 512, 512), 0, NUM_CLASSES, dtype=jnp.int64 if jax.config.jax_enable_x64 else jnp.int32)
    y_gt = jax.random.randint(k2, (32, 512, 512), 0, NUM_CLASSES, dtype=jnp.int64 if jax.config.jax_enable_x64 else jnp.int32)
    return {"y_pr": y_pr, "y_gt": y_gt}

def _confusion_matrix(y_pr_flat, y_gt_flat, num_classes):
    # conf[gt, pr]: rows indexed by ground-truth class (so sum over axis 1 = gt counts)
    idx = y_gt_flat.astype(jnp.int32) * num_classes + y_pr_flat.astype(jnp.int32)
    conf = jnp.bincount(idx, length=num_classes * num_classes).reshape(num_classes, num_classes)
    return conf.astype(jnp.float64 if jax.config.jax_enable_x64 else jnp.float32)

def reference(y_pr, y_gt):
    num_classes = NUM_CLASSES
    # y_pr / y_gt are 3D integer label maps; 4D score path would argmax over axis 1
    if y_pr.ndim == 4:
        y_pr = jnp.argmax(y_pr, axis=1)
    if y_gt.ndim == 4:
        y_gt = jnp.argmax(y_gt, axis=1)
    conf = _confusion_matrix(y_pr.reshape(-1), y_gt.reshape(-1), num_classes)
    # ignore_index is None, normalized is False -> no masking / no row normalization
    true_positive = jnp.diag(conf)
    false_positive = jnp.sum(conf, axis=0) - true_positive
    false_negative = jnp.sum(conf, axis=1) - true_positive
    total = jnp.sum(conf)
    true_negative = total - true_positive - false_negative - false_positive
    batch_gt = jnp.sum(conf, axis=1)
    class_exist = batch_gt > 0
    pa = (true_positive + true_negative) / total
    # np.nanmean over pa[class_exist]
    valid = class_exist & (~jnp.isnan(pa))
    pa_sum = jnp.sum(jnp.where(valid, pa, 0.0))
    n_valid = jnp.sum(valid)
    return pa_sum / n_valid

if False:  # reference __main__ guard neutralized (emitter)
    out = reference(**setup_inputs())
    print(out)

if __name__ == "__main__":
    import jax
    _d = setup_inputs()
    print(jax.jit(kernel)(*tuple(_d.values())))

</pallas_src>

<mosaic_0001>
#map = affine_map<(d0, d1) -> (0, 0)>
module attributes {stable_mosaic.version = 14 : i64} {
  func.func @_sc_hist_kernel(%arg0: i32, %arg1: i32, %arg2: memref<16384x512xi32, #tpu.memory_space<hbm>>, %arg3: memref<16384x512xi32, #tpu.memory_space<hbm>>, %arg4: memref<32x512xi32, #tpu.memory_space<hbm>>, %arg5: memref<2x32x512xi32, #tpu.memory_space<vmem>>, %arg6: memref<2x32x512xi32, #tpu.memory_space<vmem>>, %arg7: memref<8192xi32, #tpu.memory_space<vmem>>, %arg8: memref<512xi32, #tpu.memory_space<vmem>>, %arg9: memref<!tpu.dma_semaphore, #tpu.memory_space<semaphore_mem>>, %arg10: memref<!tpu.dma_semaphore, #tpu.memory_space<semaphore_mem>>, %arg11: memref<!tpu.dma_semaphore, #tpu.memory_space<semaphore_mem>>, %arg12: memref<!tpu.dma_semaphore, #tpu.memory_space<semaphore_mem>>) attributes {dimension_semantics = [#tpu.dimension_semantics<core_parallel>, #tpu.dimension_semantics<subcore_parallel>], iteration_bounds = array<i64: 2, 16>, scalar_prefetch = 0 : i64, scratch_operands = 8 : i64, tpu.core_type = #tpu.core_type<sc_vector_subcore>, window_params = [{transform_indices = #map}, {transform_indices = #map}, {transform_indices = #map}]} {
    %mul3A = arith.constant 2 : i32
    %mul3A_0 = arith.muli %arg1, %mul3A : i32
    %add3A = arith.addi %mul3A_0, %arg0 : i32
    %mul3A_1 = arith.constant 512 : i32
    %mul3A_2 = arith.muli %add3A, %mul3A_1 : i32
    %broadcast_in_dim3A = arith.constant 0 : i32
    %broadcast_in_dim3A_3 = vector.broadcast %broadcast_in_dim3A : i32 to vector<16xi32>
    %broadcast_in_dim3A_4 = arith.constant 1 : i32
    %broadcast_in_dim3A_5 = vector.broadcast %broadcast_in_dim3A_4 : i32 to vector<16xi32>
    %iota3A = tpu.iota {dimensions = array<i32: 0>} : vector<16xi32>
    %mul3A_6 = arith.constant 512 : i32
    %mul3A_7 = vector.broadcast %mul3A_6 : i32 to vector<16xi32>
    %mul3A_8 = arith.muli %iota3A, %mul3A_7 : vector<16xi32>
    %parallel_loop3A = arith.constant 0 : i32
    %parallel_loop3A_9 = arith.constant 512 : i32
    %parallel_loop3A_10 = arith.constant 1 : i32
    scf.for %parallel_loop3A_46 = %parallel_loop3A to %parallel_loop3A_9 step %parallel_loop3A_10  : i32 {
      %parallel_loop3A_47 = arith.constant 16 : i32
      %parallel_loop3A_48 = arith.muli %parallel_loop3A_46, %parallel_loop3A_47 : i32
      %parallel_loop3A_49 = arith.index_cast %parallel_loop3A_48 : i32 to index
      %parallel_loop3A_50 = tpu.vector_load %arg7[%parallel_loop3A_49] {strides = array<i32>} : memref<8192xi32, #tpu.memory_space<vmem>>, vector<16xi32>,
      tpu.vector_store %arg7[%parallel_loop3A_49], %broadcast_in_dim3A_3 {strides = array<i32>} : memref<8192xi32, #tpu.memory_space<vmem>>, vector<16xi32>,
    } {sc.loop_unroll_factor = 8 : i64, sc.parallel_access}
    %add3A_11 = arith.constant 0 : i32
    %add3A_12 = arith.addi %mul3A_2, %add3A_11 : i32
    %dma_start3A = arith.constant 0 : i32
    %dma_start3A_13 = arith.constant 0 : i32
    %dma_start3A_14 = arith.constant 0 : i32
    %dma_start3A_15 = tpu.memref_slice %arg5[%dma_start3A, %dma_start3A_13, %dma_start3A_14] : memref<2x32x512xi32, #tpu.memory_space<vmem>> -> memref<1x32x512xi32, #tpu.memory_space<vmem>>
    %dma_start3A_16 = tpu.memref_squeeze %dma_start3A_15 : memref<1x32x512xi32, #tpu.memory_space<vmem>> -> memref<32x512xi32, #tpu.memory_space<vmem>>
    %dma_start3A_17 = arith.constant 0 : i32
    %dma_start3A_18 = tpu.memref_slice %arg2[%add3A_12, %dma_start3A_17] : memref<16384x512xi32, #tpu.memory_space<hbm>> -> memref<32x512xi32, #tpu.memory_space<hbm>>
    %dma_start3A_19 = arith.constant 0 : i32
    %dma_start3A_20 = arith.constant 0 : i32
    %dma_start3A_21 = tpu.memref_slice %arg5[%dma_start3A, %dma_start3A_19, %dma_start3A_20] : memref<2x32x512xi32, #tpu.memory_space<vmem>> -> memref<1x32x512xi32, #tpu.memory_space<vmem>>
    %dma_start3A_22 = tpu.memref_squeeze %dma_start3A_21 : memref<1x32x512xi32, #tpu.memory_space<vmem>> -> memref<32x512xi32, #tpu.memory_space<vmem>>
    %dma_start3A_23 = arith.constant 0 : i32
    %dma_start3A_24 = tpu.memref_slice %arg2[%add3A_12, %dma_start3A_23] : memref<16384x512xi32, #tpu.memory_space<hbm>> -> memref<32x512xi32, #tpu.memory_space<hbm>>
    tpu.enqueue_dma source(%dma_start3A_24 : memref<32x512xi32, #tpu.memory_space<hbm>>) target(%dma_start3A_22 : memref<32x512xi32, #tpu.memory_space<vmem>>) target_semaphore(%arg9 : memref<!tpu.dma_semaphore, #tpu.memory_space<semaphore_mem>>)
    %dma_start3A_25 = arith.constant 0 : i32
    %dma_start3A_26 = arith.constant 0 : i32
    %dma_start3A_27 = arith.constant 0 : i32
    %dma_start3A_28 = tpu.memref_slice %arg6[%dma_start3A_25, %dma_start3A_26, %dma_start3A_27] : memref<2x32x512xi32, #tpu.memory_space<vmem>> -> memref<1x32x512xi32, #tpu.memory_space<vmem>>
    %dma_start3A_29 = tpu.memref_squeeze %dma_start3A_28 : memref<1x32x512xi32, #tpu.memory_space<vmem>> -> memref<32x512xi32, #tpu.memory_space<vmem>>
    %dma_start3A_30 = arith.constant 0 : i32
    %dma_start3A_31 = tpu.memref_slice %arg3[%add3A_12, %dma_start3A_30] : memref<16384x512xi32, #tpu.memory_space<hbm>> -> memref<32x512xi32, #tpu.memory_space<hbm>>
    %dma_start3A_32 = arith.constant 0 : i32
    %dma_start3A_33 = arith.constant 0 : i32
    %dma_start3A_34 = tpu.memref_slice %arg6[%dma_start3A_25, %dma_start3A_32, %dma_start3A_33] : memref<2x32x512xi32, #tpu.memory_space<vmem>> -> memref<1x32x512xi32, #tpu.memory_space<vmem>>
    %dma_start3A_35 = tpu.memref_squeeze %dma_start3A_34 : memref<1x32x512xi32, #tpu.memory_space<vmem>> -> memref<32x512xi32, #tpu.memory_space<vmem>>
    %dma_start3A_36 = arith.constant 0 : i32
    %dma_start3A_37 = tpu.memref_slice %arg3[%add3A_12, %dma_start3A_36] : memref<16384x512xi32, #tpu.memory_space<hbm>> -> memref<32x512xi32, #tpu.memory_space<hbm>>
    tpu.enqueue_dma source(%dma_start3A_37 : memref<32x512xi32, #tpu.memory_space<hbm>>) target(%dma_start3A_35 : memref<32x512xi32, #tpu.memory_space<vmem>>) target_semaphore(%arg11 : memref<!tpu.dma_semaphore, #tpu.memory_space<semaphore_mem>>)
    %scan3A = arith.constant 0 : i32
    %scan3A_38 = arith.constant 0 : i32
    %scan3A_39 = arith.constant 8 : i32
    %scan3A_40 = arith.addi %scan3A_38, %scan3A_39 : i32
    %scan3A_41 = arith.constant 1 : i32
    scf.for %scan3A_46 = %scan3A_38 to %scan3A_40 step %scan3A_41  : i32 {
      %mul3A_47 = arith.constant 2 : i32
      %mul3A_48 = arith.muli %scan3A_46, %mul3A_47 : i32
      %add3A_49 = arith.constant 1 : i32
      %add3A_50 = arith.addi %mul3A_48, %add3A_49 : i32
      %mul3A_51 = arith.constant 32 : i32
      %mul3A_52 = arith.muli %add3A_50, %mul3A_51 : i32
      %add3A_53 = arith.addi %mul3A_2, %mul3A_52 : i32
      %dma_start3A_54 = arith.constant 1 : i32
      %dma_start3A_55 = arith.constant 0 : i32
      %dma_start3A_56 = arith.constant 0 : i32
      %dma_start3A_57 = tpu.memref_slice %arg5[%dma_start3A_54, %dma_start3A_55, %dma_start3A_56] : memref<2x32x512xi32, #tpu.memory_space<vmem>> -> memref<1x32x512xi32, #tpu.memory_space<vmem>>
      %dma_start3A_58 = tpu.memref_squeeze %dma_start3A_57 : memref<1x32x512xi32, #tpu.memory_space<vmem>> -> memref<32x512xi32, #tpu.memory_space<vmem>>
      %dma_start3A_59 = arith.constant 0 : i32
      %dma_start3A_60 = tpu.memref_slice %arg2[%add3A_53, %dma_start3A_59] : memref<16384x512xi32, #tpu.memory_space<hbm>> -> memref<32x512xi32, #tpu.memory_space<hbm>>
      %dma_start3A_61 = arith.constant 0 : i32
      %dma_start3A_62 = arith.constant 0 : i32
      %dma_start3A_63 = tpu.memref_slice %arg5[%dma_start3A_54, %dma_start3A_61, %dma_start3A_62] : memref<2x32x512xi32, #tpu.memory_space<vmem>> -> memref<1x32x512xi32, #tpu.memory_space<vmem>>
      %dma_start3A_64 = tpu.memref_squeeze %dma_start3A_63 : memref<1x32x512xi32, #tpu.memory_space<vmem>> -> memref<32x512xi32, #tpu.memory_space<vmem>>
      %dma_start3A_65 = arith.constant 0 : i32
      %dma_start3A_66 = tpu.memref_slice %arg2[%add3A_53, %dma_start3A_65] : memref<16384x512xi32, #tpu.memory_space<hbm>> -> memref<32x512xi32, #tpu.memory_space<hbm>>
      tpu.enqueue_dma source(%dma_start3A_66 : memref<32x512xi32, #tpu.memory_space<hbm>>) target(%dma_start3A_64 : memref<32x512xi32, #tpu.memory_space<vmem>>) target_semaphore(%arg10 : memref<!tpu.dma_semaphore, #tpu.memory_space<semaphore_mem>>)
      %dma_start3A_67 = arith.constant 1 : i32
      %dma_start3A_68 = arith.constant 0 : i32
      %dma_start3A_69 = arith.constant 0 : i32
      %dma_start3A_70 = tpu.memref_slice %arg6[%dma_start3A_67, %dma_start3A_68, %dma_start3A_69] : memref<2x32x512xi32, #tpu.memory_space<vmem>> -> memref<1x32x512xi32, #tpu.memory_space<vmem>>
      %dma_start3A_71 = tpu.memref_squeeze %dma_start3A_70 : memref<1x32x512xi32, #tpu.memory_space<vmem>> -> memref<32x512xi32, #tpu.memory_space<vmem>>
      %dma_start3A_72 = arith.constant 0 : i32
      %dma_start3A_73 = tpu.memref_slice %arg3[%add3A_53, %dma_start3A_72] : memref<16384x512xi32, #tpu.memory_space<hbm>> -> memref<32x512xi32, #tpu.memory_space<hbm>>
      %dma_start3A_74 = arith.constant 0 : i32
      %dma_start3A_75 = arith.constant 0 : i32
      %dma_start3A_76 = tpu.memref_slice %arg6[%dma_start3A_67, %dma_start3A_74, %dma_start3A_75] : memref<2x32x512xi32, #tpu.memory_space<vmem>> -> memref<1x32x512xi32, #tpu.memory_space<vmem>>
      %dma_start3A_77 = tpu.memref_squeeze %dma_start3A_76 : memref<1x32x512xi32, #tpu.memory_space<vmem>> -> memref<32x512xi32, #tpu.memory_space<vmem>>
      %dma_start3A_78 = arith.constant 0 : i32
      %dma_start3A_79 = tpu.memref_slice %arg3[%add3A_53, %dma_start3A_78] : memref<16384x512xi32, #tpu.memory_space<hbm>> -> memref<32x512xi32, #tpu.memory_space<hbm>>
      tpu.enqueue_dma source(%dma_start3A_79 : memref<32x512xi32, #tpu.memory_space<hbm>>) target(%dma_start3A_77 : memref<32x512xi32, #tpu.memory_space<vmem>>) target_semaphore(%arg12 : memref<!tpu.dma_semaphore, #tpu.memory_space<semaphore_mem>>)
      %dma_wait3A = arith.constant 0 : i32
      %dma_wait3A_80 = arith.constant 0 : i32
      %dma_wait3A_81 = arith.constant 0 : i32
      %dma_wait3A_82 = tpu.memref_slice %arg5[%dma_wait3A, %dma_wait3A_80, %dma_wait3A_81] : memref<2x32x512xi32, #tpu.memory_space<vmem>> -> memref<1x32x512xi32, #tpu.memory_space<vmem>>
      %dma_wait3A_83 = tpu.memref_squeeze %dma_wait3A_82 : memref<1x32x512xi32, #tpu.memory_space<vmem>> -> memref<32x512xi32, #tpu.memory_space<vmem>>
      %dma_wait3A_84 = arith.constant 0 : i32
      %dma_wait3A_85 = tpu.memref_slice %arg2[%mul3A_2, %dma_wait3A_84] : memref<16384x512xi32, #tpu.memory_space<hbm>> -> memref<32x512xi32, #tpu.memory_space<hbm>>
      %dma_wait3A_86 = arith.constant 0 : i32
      %dma_wait3A_87 = arith.constant 0 : i32
      %dma_wait3A_88 = tpu.memref_slice %arg5[%dma_wait3A, %dma_wait3A_86, %dma_wait3A_87] : memref<2x32x512xi32, #tpu.memory_space<vmem>> -> memref<1x32x512xi32, #tpu.memory_space<vmem>>
      %dma_wait3A_89 = tpu.memref_squeeze %dma_wait3A_88 : memref<1x32x512xi32, #tpu.memory_space<vmem>> -> memref<32x512xi32, #tpu.memory_space<vmem>>
      %dma_wait3A_90 = arith.constant 0 : i32
      %dma_wait3A_91 = tpu.memref_slice %arg2[%mul3A_2, %dma_wait3A_90] : memref<16384x512xi32, #tpu.memory_space<hbm>> -> memref<32x512xi32, #tpu.memory_space<hbm>>
      tpu.wait_dma2 semaphore(%arg9 : memref<!tpu.dma_semaphore, #tpu.memory_space<semaphore_mem>>) src(%dma_wait3A_91 : memref<32x512xi32, #tpu.memory_space<hbm>>) dst(%dma_wait3A_89 : memref<32x512xi32, #tpu.memory_space<vmem>>)
      %dma_wait3A_92 = arith.constant 0 : i32
      %dma_wait3A_93 = arith.constant 0 : i32
      %dma_wait3A_94 = arith.constant 0 : i32
      %dma_wait3A_95 = tpu.memref_slice %arg6[%dma_wait3A_92, %dma_wait3A_93, %dma_wait3A_94] : memref<2x32x512xi32, #tpu.memory_space<vmem>> -> memref<1x32x512xi32, #tpu.memory_space<vmem>>
      %dma_wait3A_96 = tpu.memref_squeeze %dma_wait3A_95 : memref<1x32x512xi32, #tpu.memory_space<vmem>> -> memref<32x512xi32, #tpu.memory_space<vmem>>
      %dma_wait3A_97 = arith.constant 0 : i32
      %dma_wait3A_98 = tpu.memref_slice %arg3[%mul3A_2, %dma_wait3A_97] : memref<16384x512xi32, #tpu.memory_space<hbm>> -> memref<32x512xi32, #tpu.memory_space<hbm>>
      %dma_wait3A_99 = arith.constant 0 : i32
      %dma_wait3A_100 = arith.constant 0 : i32
      %dma_wait3A_101 = tpu.memref_slice %arg6[%dma_wait3A_92, %dma_wait3A_99, %dma_wait3A_100] : memref<2x32x512xi32, #tpu.memory_space<vmem>> -> memref<1x32x512xi32, #tpu.memory_space<vmem>>
      %dma_wait3A_102 = tpu.memref_squeeze %dma_wait3A_101 : memref<1x32x512xi32, #tpu.memory_space<vmem>> -> memref<32x512xi32, #tpu.memory_space<vmem>>
      %dma_wait3A_103 = arith.constant 0 : i32
      %dma_wait3A_104 = tpu.memref_slice %arg3[%mul3A_2, %dma_wait3A_103] : memref<16384x512xi32, #tpu.memory_space<hbm>> -> memref<32x512xi32, #tpu.memory_space<hbm>>
      tpu.wait_dma2 semaphore(%arg11 : memref<!tpu.dma_semaphore, #tpu.memory_space<semaphore_mem>>) src(%dma_wait3A_104 : memref<32x512xi32, #tpu.memory_space<hbm>>) dst(%dma_wait3A_102 : memref<32x512xi32, #tpu.memory_space<vmem>>)
      %parallel_loop3A_105 = arith.constant 0 : i32
      %parallel_loop3A_106 = arith.constant 1024 : i32
      %parallel_loop3A_107 = arith.constant 1 : i32
      scf.for %parallel_loop3A_139 = %parallel_loop3A_105 to %parallel_loop3A_106 step %parallel_loop3A_107  : i32 {
        %parallel_loop3A_140 = arith.constant 5 : i32
        %parallel_loop3A_141 = arith.shrui %parallel_loop3A_139, %parallel_loop3A_140 : i32
        %parallel_loop3A_142 = arith.constant 31 : i32
        %parallel_loop3A_143 = arith.andi %parallel_loop3A_139, %parallel_loop3A_142 : i32
        %parallel_loop3A_144 = arith.constant 4 : i32
        %parallel_loop3A_145 = arith.shli %parallel_loop3A_143, %parallel_loop3A_144 : i32
        %parallel_loop3A_146 = arith.constant 0 : i32
        %parallel_loop3A_147 = arith.index_cast %parallel_loop3A_146 : i32 to index
        %parallel_loop3A_148 = arith.index_cast %parallel_loop3A_141 : i32 to index
        %parallel_loop3A_149 = arith.index_cast %parallel_loop3A_145 : i32 to index
        %parallel_loop3A_150 = tpu.vector_load %arg5[%parallel_loop3A_147, %parallel_loop3A_148, %parallel_loop3A_149] {strides = array<i32>} : memref<2x32x512xi32, #tpu.memory_space<vmem>>, vector<16xi32>,
        %parallel_loop3A_151 = arith.constant 0 : i32
        %parallel_loop3A_152 = arith.index_cast %parallel_loop3A_151 : i32 to index
        %parallel_loop3A_153 = arith.index_cast %parallel_loop3A_141 : i32 to index
        %parallel_loop3A_154 = arith.index_cast %parallel_loop3A_145 : i32 to index
        %parallel_loop3A_155 = tpu.vector_load %arg6[%parallel_loop3A_152, %parallel_loop3A_153, %parallel_loop3A_154] {strides = array<i32>} : memref<2x32x512xi32, #tpu.memory_space<vmem>>, vector<16xi32>,
        %parallel_loop3A_156 = arith.constant 21 : i32
        %parallel_loop3A_157 = vector.broadcast %parallel_loop3A_156 : i32 to vector<16xi32>
        %parallel_loop3A_158 = arith.muli %parallel_loop3A_155, %parallel_loop3A_157 : vector<16xi32>
        %parallel_loop3A_159 = arith.addi %mul3A_8, %parallel_loop3A_158 : vector<16xi32>
        %parallel_loop3A_160 = arith.addi %parallel_loop3A_159, %parallel_loop3A_150 : vector<16xi32>
        tpu.vector_store_idx %arg7[%parallel_loop3A_160], %broadcast_in_dim3A_5 {add = true} : memref<8192xi32, #tpu.memory_space<vmem>>[vector<16xi32>], vector<16xi32>,
      } {sc.loop_unroll_factor = 12 : i64, sc.parallel_access}
      %lt3A = arith.constant 7 : i32
      %lt3A_108 = arith.cmpi slt, %scan3A_46, %lt3A : i32
      %convert_element_type3A = arith.extui %lt3A_108 : i1 to i32
      %cond3A = arith.constant 0 : i32
      %cond3A_109 = arith.cmpi ne, %convert_element_type3A, %cond3A : i32
      scf.if %cond3A_109 {
        %add3A_139 = arith.constant 2 : i32
        %add3A_140 = arith.addi %mul3A_48, %add3A_139 : i32
        %mul3A_141 = arith.constant 32 : i32
        %mul3A_142 = arith.muli %add3A_140, %mul3A_141 : i32
        %add3A_143 = arith.addi %mul3A_2, %mul3A_142 : i32
        %dma_start3A_144 = arith.constant 0 : i32
        %dma_start3A_145 = arith.constant 0 : i32
        %dma_start3A_146 = arith.constant 0 : i32
        %dma_start3A_147 = tpu.memref_slice %arg5[%dma_start3A_144, %dma_start3A_145, %dma_start3A_146] : memref<2x32x512xi32, #tpu.memory_space<vmem>> -> memref<1x32x512xi32, #tpu.memory_space<vmem>>
        %dma_start3A_148 = tpu.memref_squeeze %dma_start3A_147 : memref<1x32x512xi32, #tpu.memory_space<vmem>> -> memref<32x512xi32, #tpu.memory_space<vmem>>
        %dma_start3A_149 = arith.constant 0 : i32
        %dma_start3A_150 = tpu.memref_slice %arg2[%add3A_143, %dma_start3A_149] : memref<16384x512xi32, #tpu.memory_space<hbm>> -> memref<32x512xi32, #tpu.memory_space<hbm>>
        %dma_start3A_151 = arith.constant 0 : i32
        %dma_start3A_152 = arith.constant 0 : i32
        %dma_start3A_153 = tpu.memref_slice %arg5[%dma_start3A_144, %dma_start3A_151, %dma_start3A_152] : memref<2x32x512xi32, #tpu.memory_space<vmem>> -> memref<1x32x512xi32, #tpu.memory_space<vmem>>
        %dma_start3A_154 = tpu.memref_squeeze %dma_start3A_153 : memref<1x32x512xi32, #tpu.memory_space<vmem>> -> memref<32x512xi32, #tpu.memory_space<vmem>>
        %dma_start3A_155 = arith.constant 0 : i32
        %dma_start3A_156 = tpu.memref_slice %arg2[%add3A_143, %dma_start3A_155] : memref<16384x512xi32, #tpu.memory_space<hbm>> -> memref<32x512xi32, #tpu.memory_space<hbm>>
        tpu.enqueue_dma source(%dma_start3A_156 : memref<32x512xi32, #tpu.memory_space<hbm>>) target(%dma_start3A_154 : memref<32x512xi32, #tpu.memory_space<vmem>>) target_semaphore(%arg9 : memref<!tpu.dma_semaphore, #tpu.memory_space<semaphore_mem>>)
        %dma_start3A_157 = arith.constant 0 : i32
        %dma_start3A_158 = arith.constant 0 : i32
        %dma_start3A_159 = arith.constant 0 : i32
        %dma_start3A_160 = tpu.memref_slice %arg6[%dma_start3A_157, %dma_start3A_158, %dma_start3A_159] : memref<2x32x512xi32, #tpu.memory_space<vmem>> -> memref<1x32x512xi32, #tpu.memory_space<vmem>>
        %dma_start3A_161 = tpu.memref_squeeze %dma_start3A_160 : memref<1x32x512xi32, #tpu.memory_space<vmem>> -> memref<32x512xi32, #tpu.memory_space<vmem>>
        %dma_start3A_162 = arith.constant 0 : i32
        %dma_start3A_163 = tpu.memref_slice %arg3[%add3A_143, %dma_start3A_162] : memref<16384x512xi32, #tpu.memory_space<hbm>> -> memref<32x512xi32, #tpu.memory_space<hbm>>
        %dma_start3A_164 = arith.constant 0 : i32
        %dma_start3A_165 = arith.constant 0 : i32
        %dma_start3A_166 = tpu.memref_slice %arg6[%dma_start3A_157, %dma_start3A_164, %dma_start3A_165] : memref<2x32x512xi32, #tpu.memory_space<vmem>> -> memref<1x32x512xi32, #tpu.memory_space<vmem>>
        %dma_start3A_167 = tpu.memref_squeeze %dma_start3A_166 : memref<1x32x512xi32, #tpu.memory_space<vmem>> -> memref<32x512xi32, #tpu.memory_space<vmem>>
        %dma_start3A_168 = arith.constant 0 : i32
        %dma_start3A_169 = tpu.memref_slice %arg3[%add3A_143, %dma_start3A_168] : memref<16384x512xi32, #tpu.memory_space<hbm>> -> memref<32x512xi32, #tpu.memory_space<hbm>>
        tpu.enqueue_dma source(%dma_start3A_169 : memref<32x512xi32, #tpu.memory_space<hbm>>) target(%dma_start3A_167 : memref<32x512xi32, #tpu.memory_space<vmem>>) target_semaphore(%arg11 : memref<!tpu.dma_semaphore, #tpu.memory_space<semaphore_mem>>)
      } else {
      }
      %dma_wait3A_110 = arith.constant 1 : i32
      %dma_wait3A_111 = arith.constant 0 : i32
      %dma_wait3A_112 = arith.constant 0 : i32
      %dma_wait3A_113 = tpu.memref_slice %arg5[%dma_wait3A_110, %dma_wait3A_111, %dma_wait3A_112] : memref<2x32x512xi32, #tpu.memory_space<vmem>> -> memref<1x32x512xi32, #tpu.memory_space<vmem>>
      %dma_wait3A_114 = tpu.memref_squeeze %dma_wait3A_113 : memref<1x32x512xi32, #tpu.memory_space<vmem>> -> memref<32x512xi32, #tpu.memory_space<vmem>>
      %dma_wait3A_115 = arith.constant 0 : i32
      %dma_wait3A_116 = tpu.memref_slice %arg2[%mul3A_2, %dma_wait3A_115] : memref<16384x512xi32, #tpu.memory_space<hbm>> -> memref<32x512xi32, #tpu.memory_space<hbm>>
      %dma_wait3A_117 = arith.constant 0 : i32
      %dma_wait3A_118 = arith.constant 0 : i32
      %dma_wait3A_119 = tpu.memref_slice %arg5[%dma_wait3A_110, %dma_wait3A_117, %dma_wait3A_118] : memref<2x32x512xi32, #tpu.memory_space<vmem>> -> memref<1x32x512xi32, #tpu.memory_space<vmem>>
      %dma_wait3A_120 = tpu.memref_squeeze %dma_wait3A_119 : memref<1x32x512xi32, #tpu.memory_space<vmem>> -> memref<32x512xi32, #tpu.memory_space<vmem>>
      %dma_wait3A_121 = arith.constant 0 : i32
      %dma_wait3A_122 = tpu.memref_slice %arg2[%mul3A_2, %dma_wait3A_121] : memref<16384x512xi32, #tpu.memory_space<hbm>> -> memref<32x512xi32, #tpu.memory_space<hbm>>
      tpu.wait_dma2 semaphore(%arg10 : memref<!tpu.dma_semaphore, #tpu.memory_space<semaphore_mem>>) src(%dma_wait3A_122 : memref<32x512xi32, #tpu.memory_space<hbm>>) dst(%dma_wait3A_120 : memref<32x512xi32, #tpu.memory_space<vmem>>)
      %dma_wait3A_123 = arith.constant 1 : i32
      %dma_wait3A_124 = arith.constant 0 : i32
      %dma_wait3A_125 = arith.constant 0 : i32
      %dma_wait3A_126 = tpu.memref_slice %arg6[%dma_wait3A_123, %dma_wait3A_124, %dma_wait3A_125] : memref<2x32x512xi32, #tpu.memory_space<vmem>> -> memref<1x32x512xi32, #tpu.memory_space<vmem>>
      %dma_wait3A_127 = tpu.memref_squeeze %dma_wait3A_126 : memref<1x32x512xi32, #tpu.memory_space<vmem>> -> memref<32x512xi32, #tpu.memory_space<vmem>>
      %dma_wait3A_128 = arith.constant 0 : i32
      %dma_wait3A_129 = tpu.memref_slice %arg3[%mul3A_2, %dma_wait3A_128] : memref<16384x512xi32, #tpu.memory_space<hbm>> -> memref<32x512xi32, #tpu.memory_space<hbm>>
      %dma_wait3A_130 = arith.constant 0 : i32
      %dma_wait3A_131 = arith.constant 0 : i32
      %dma_wait3A_132 = tpu.memref_slice %arg6[%dma_wait3A_123, %dma_wait3A_130, %dma_wait3A_131] : memref<2x32x512xi32, #tpu.memory_space<vmem>> -> memref<1x32x512xi32, #tpu.memory_space<vmem>>
      %dma_wait3A_133 = tpu.memref_squeeze %dma_wait3A_132 : memref<1x32x512xi32, #tpu.memory_space<vmem>> -> memref<32x512xi32, #tpu.memory_space<vmem>>
      %dma_wait3A_134 = arith.constant 0 : i32
      %dma_wait3A_135 = tpu.memref_slice %arg3[%mul3A_2, %dma_wait3A_134] : memref<16384x512xi32, #tpu.memory_space<hbm>> -> memref<32x512xi32, #tpu.memory_space<hbm>>
      tpu.wait_dma2 semaphore(%arg12 : memref<!tpu.dma_semaphore, #tpu.memory_space<semaphore_mem>>) src(%dma_wait3A_135 : memref<32x512xi32, #tpu.memory_space<hbm>>) dst(%dma_wait3A_133 : memref<32x512xi32, #tpu.memory_space<vmem>>)
      %parallel_loop3A_136 = arith.constant 0 : i32
      %parallel_loop3A_137 = arith.constant 1024 : i32
      %parallel_loop3A_138 = arith.constant 1 : i32
      scf.for %parallel_loop3A_139 = %parallel_loop3A_136 to %parallel_loop3A_137 step %parallel_loop3A_138  : i32 {
        %parallel_loop3A_140 = arith.constant 5 : i32
        %parallel_loop3A_141 = arith.shrui %parallel_loop3A_139, %parallel_loop3A_140 : i32
        %parallel_loop3A_142 = arith.constant 31 : i32
        %parallel_loop3A_143 = arith.andi %parallel_loop3A_139, %parallel_loop3A_142 : i32
        %parallel_loop3A_144 = arith.constant 4 : i32
        %parallel_loop3A_145 = arith.shli %parallel_loop3A_143, %parallel_loop3A_144 : i32
        %parallel_loop3A_146 = arith.constant 1 : i32
        %parallel_loop3A_147 = arith.index_cast %parallel_loop3A_146 : i32 to index
        %parallel_loop3A_148 = arith.index_cast %parallel_loop3A_141 : i32 to index
        %parallel_loop3A_149 = arith.index_cast %parallel_loop3A_145 : i32 to index
        %parallel_loop3A_150 = tpu.vector_load %arg5[%parallel_loop3A_147, %parallel_loop3A_148, %parallel_loop3A_149] {strides = array<i32>} : memref<2x32x512xi32, #tpu.memory_space<vmem>>, vector<16xi32>,
        %parallel_loop3A_151 = arith.constant 1 : i32
        %parallel_loop3A_152 = arith.index_cast %parallel_loop3A_151 : i32 to index
        %parallel_loop3A_153 = arith.index_cast %parallel_loop3A_141 : i32 to index
        %parallel_loop3A_154 = arith.index_cast %parallel_loop3A_145 : i32 to index
        %parallel_loop3A_155 = tpu.vector_load %arg6[%parallel_loop3A_152, %parallel_loop3A_153, %parallel_loop3A_154] {strides = array<i32>} : memref<2x32x512xi32, #tpu.memory_space<vmem>>, vector<16xi32>,
        %parallel_loop3A_156 = arith.constant 21 : i32
        %parallel_loop3A_157 = vector.broadcast %parallel_loop3A_156 : i32 to vector<16xi32>
        %parallel_loop3A_158 = arith.muli %parallel_loop3A_155, %parallel_loop3A_157 : vector<16xi32>
        %parallel_loop3A_159 = arith.addi %mul3A_8, %parallel_loop3A_158 : vector<16xi32>
        %parallel_loop3A_160 = arith.addi %parallel_loop3A_159, %parallel_loop3A_150 : vector<16xi32>
        tpu.vector_store_idx %arg7[%parallel_loop3A_160], %broadcast_in_dim3A_5 {add = true} : memref<8192xi32, #tpu.memory_space<vmem>>[vector<16xi32>], vector<16xi32>,
      } {sc.loop_unroll_factor = 12 : i64, sc.parallel_access}
    }
    %scan3A_42 = arith.constant 8 : i32
    %parallel_loop3A_43 = arith.constant 0 : i32
    %parallel_loop3A_44 = arith.constant 32 : i32
    %parallel_loop3A_45 = arith.constant 1 : i32
    scf.for %parallel_loop3A_46 = %parallel_loop3A_43 to %parallel_loop3A_44 step %parallel_loop3A_45  : i32 {
      %parallel_loop3A_47 = arith.constant 16 : i32
      %parallel_loop3A_48 = arith.muli %parallel_loop3A_46, %parallel_loop3A_47 : i32
      %parallel_loop3A_49 = arith.index_cast %parallel_loop3A_48 : i32 to index
      %parallel_loop3A_50 = tpu.vector_load %arg7[%parallel_loop3A_49] {strides = array<i32>} : memref<8192xi32, #tpu.memory_space<vmem>>, vector<16xi32>,
      %parallel_loop3A_51 = arith.constant 16 : i32
      %parallel_loop3A_52 = arith.muli %parallel_loop3A_46, %parallel_loop3A_51 : i32
      %parallel_loop3A_53 = arith.constant 512 : i32
      %parallel_loop3A_54 = arith.addi %parallel_loop3A_53, %parallel_loop3A_52 : i32
      %parallel_loop3A_55 = arith.index_cast %parallel_loop3A_54 : i32 to index
      %parallel_loop3A_56 = tpu.vector_load %arg7[%parallel_loop3A_55] {strides = array<i32>} : memref<8192xi32, #tpu.memory_space<vmem>>, vector<16xi32>,
      %parallel_loop3A_57 = arith.addi %parallel_loop3A_50, %parallel_loop3A_56 : vector<16xi32>
      %parallel_loop3A_58 = arith.constant 16 : i32
      %parallel_loop3A_59 = arith.muli %parallel_loop3A_46, %parallel_loop3A_58 : i32
      %parallel_loop3A_60 = arith.constant 1024 : i32
      %parallel_loop3A_61 = arith.addi %parallel_loop3A_60, %parallel_loop3A_59 : i32
      %parallel_loop3A_62 = arith.index_cast %parallel_loop3A_61 : i32 to index
      %parallel_loop3A_63 = tpu.vector_load %arg7[%parallel_loop3A_62] {strides = array<i32>} : memref<8192xi32, #tpu.memory_space<vmem>>, vector<16xi32>,
      %parallel_loop3A_64 = arith.addi %parallel_loop3A_57, %parallel_loop3A_63 : vector<16xi32>
      %parallel_loop3A_65 = arith.constant 16 : i32
      %parallel_loop3A_66 = arith.muli %parallel_loop3A_46, %parallel_loop3A_65 : i32
      %parallel_loop3A_67 = arith.constant 1536 : i32
      %parallel_loop3A_68 = arith.addi %parallel_loop3A_67, %parallel_loop3A_66 : i32
      %parallel_loop3A_69 = arith.index_cast %parallel_loop3A_68 : i32 to index
      %parallel_loop3A_70 = tpu.vector_load %arg7[%parallel_loop3A_69] {strides = array<i32>} : memref<8192xi32, #tpu.memory_space<vmem>>, vector<16xi32>,
      %parallel_loop3A_71 = arith.addi %parallel_loop3A_64, %parallel_loop3A_70 : vector<16xi32>
      %parallel_loop3A_72 = arith.constant 16 : i32
      %parallel_loop3A_73 = arith.muli %parallel_loop3A_46, %parallel_loop3A_72 : i32
      %parallel_loop3A_74 = arith.constant 2048 : i32
      %parallel_loop3A_75 = arith.addi %parallel_loop3A_74, %parallel_loop3A_73 : i32
      %parallel_loop3A_76 = arith.index_cast %parallel_loop3A_75 : i32 to index
      %parallel_loop3A_77 = tpu.vector_load %arg7[%parallel_loop3A_76] {strides = array<i32>} : memref<8192xi32, #tpu.memory_space<vmem>>, vector<16xi32>,
      %parallel_loop3A_78 = arith.addi %parallel_loop3A_71, %parallel_loop3A_77 : vector<16xi32>
      %parallel_loop3A_79 = arith.constant 16 : i32
      %parallel_loop3A_80 = arith.muli %parallel_loop3A_46, %parallel_loop3A_79 : i32
      %parallel_loop3A_81 = arith.constant 2560 : i32
      %parallel_loop3A_82 = arith.addi %parallel_loop3A_81, %parallel_loop3A_80 : i32
      %parallel_loop3A_83 = arith.index_cast %parallel_loop3A_82 : i32 to index
      %parallel_loop3A_84 = tpu.vector_load %arg7[%parallel_loop3A_83] {strides = array<i32>} : memref<8192xi32, #tpu.memory_space<vmem>>, vector<16xi32>,
      %parallel_loop3A_85 = arith.addi %parallel_loop3A_78, %parallel_loop3A_84 : vector<16xi32>
      %parallel_loop3A_86 = arith.constant 16 : i32
      %parallel_loop3A_87 = arith.muli %parallel_loop3A_46, %parallel_loop3A_86 : i32
      %parallel_loop3A_88 = arith.constant 3072 : i32
      %parallel_loop3A_89 = arith.addi %parallel_loop3A_88, %parallel_loop3A_87 : i32
      %parallel_loop3A_90 = arith.index_cast %parallel_loop3A_89 : i32 to index
      %parallel_loop3A_91 = tpu.vector_load %arg7[%parallel_loop3A_90] {strides = array<i32>} : memref<8192xi32, #tpu.memory_space<vmem>>, vector<16xi32>,
      %parallel_loop3A_92 = arith.addi %parallel_loop3A_85, %parallel_loop3A_91 : vector<16xi32>
      %parallel_loop3A_93 = arith.constant 16 : i32
      %parallel_loop3A_94 = arith.muli %parallel_loop3A_46, %parallel_loop3A_93 : i32
      %parallel_loop3A_95 = arith.constant 3584 : i32
      %parallel_loop3A_96 = arith.addi %parallel_loop3A_95, %parallel_loop3A_94 : i32
      %parallel_loop3A_97 = arith.index_cast %parallel_loop3A_96 : i32 to index
      %parallel_loop3A_98 = tpu.vector_load %arg7[%parallel_loop3A_97] {strides = array<i32>} : memref<8192xi32, #tpu.memory_space<vmem>>, vector<16xi32>,
      %parallel_loop3A_99 = arith.addi %parallel_loop3A_92, %parallel_loop3A_98 : vector<16xi32>
      %parallel_loop3A_100 = arith.constant 16 : i32
      %parallel_loop3A_101 = arith.muli %parallel_loop3A_46, %parallel_loop3A_100 : i32
      %parallel_loop3A_102 = arith.constant 4096 : i32
      %parallel_loop3A_103 = arith.addi %parallel_loop3A_102, %parallel_loop3A_101 : i32
      %parallel_loop3A_104 = arith.index_cast %parallel_loop3A_103 : i32 to index
      %parallel_loop3A_105 = tpu.vector_load %arg7[%parallel_loop3A_104] {strides = array<i32>} : memref<8192xi32, #tpu.memory_space<vmem>>, vector<16xi32>,
      %parallel_loop3A_106 = arith.addi %parallel_loop3A_99, %parallel_loop3A_105 : vector<16xi32>
      %parallel_loop3A_107 = arith.constant 16 : i32
      %parallel_loop3A_108 = arith.muli %parallel_loop3A_46, %parallel_loop3A_107 : i32
      %parallel_loop3A_109 = arith.constant 4608 : i32
      %parallel_loop3A_110 = arith.addi %parallel_loop3A_109, %parallel_loop3A_108 : i32
      %parallel_loop3A_111 = arith.index_cast %parallel_loop3A_110 : i32 to index
      %parallel_loop3A_112 = tpu.vector_load %arg7[%parallel_loop3A_111] {strides = array<i32>} : memref<8192xi32, #tpu.memory_space<vmem>>, vector<16xi32>,
      %parallel_loop3A_113 = arith.addi %parallel_loop3A_106, %parallel_loop3A_112 : vector<16xi32>
      %parallel_loop3A_114 = arith.constant 16 : i32
      %parallel_loop3A_115 = arith.muli %parallel_loop3A_46, %parallel_loop3A_114 : i32
      %parallel_loop3A_116 = arith.constant 5120 : i32
      %parallel_loop3A_117 = arith.addi %parallel_loop3A_116, %parallel_loop3A_115 : i32
      %parallel_loop3A_118 = arith.index_cast %parallel_loop3A_117 : i32 to index
      %parallel_loop3A_119 = tpu.vector_load %arg7[%parallel_loop3A_118] {strides = array<i32>} : memref<8192xi32, #tpu.memory_space<vmem>>, vector<16xi32>,
      %parallel_loop3A_120 = arith.addi %parallel_loop3A_113, %parallel_loop3A_119 : vector<16xi32>
      %parallel_loop3A_121 = arith.constant 16 : i32
      %parallel_loop3A_122 = arith.muli %parallel_loop3A_46, %parallel_loop3A_121 : i32
      %parallel_loop3A_123 = arith.constant 5632 : i32
      %parallel_loop3A_124 = arith.addi %parallel_loop3A_123, %parallel_loop3A_122 : i32
      %parallel_loop3A_125 = arith.index_cast %parallel_loop3A_124 : i32 to index
      %parallel_loop3A_126 = tpu.vector_load %arg7[%parallel_loop3A_125] {strides = array<i32>} : memref<8192xi32, #tpu.memory_space<vmem>>, vector<16xi32>,
      %parallel_loop3A_127 = arith.addi %parallel_loop3A_120, %parallel_loop3A_126 : vector<16xi32>
      %parallel_loop3A_128 = arith.constant 16 : i32
      %parallel_loop3A_129 = arith.muli %parallel_loop3A_46, %parallel_loop3A_128 : i32
      %parallel_loop3A_130 = arith.constant 6144 : i32
      %parallel_loop3A_131 = arith.addi %parallel_loop3A_130, %parallel_loop3A_129 : i32
      %parallel_loop3A_132 = arith.index_cast %parallel_loop3A_131 : i32 to index
      %parallel_loop3A_133 = tpu.vector_load %arg7[%parallel_loop3A_132] {strides = array<i32>} : memref<8192xi32, #tpu.memory_space<vmem>>, vector<16xi32>,
      %parallel_loop3A_134 = arith.addi %parallel_loop3A_127, %parallel_loop3A_133 : vector<16xi32>
      %parallel_loop3A_135 = arith.constant 16 : i32
      %parallel_loop3A_136 = arith.muli %parallel_loop3A_46, %parallel_loop3A_135 : i32
      %parallel_loop3A_137 = arith.constant 6656 : i32
      %parallel_loop3A_138 = arith.addi %parallel_loop3A_137, %parallel_loop3A_136 : i32
      %parallel_loop3A_139 = arith.index_cast %parallel_loop3A_138 : i32 to index
      %parallel_loop3A_140 = tpu.vector_load %arg7[%parallel_loop3A_139] {strides = array<i32>} : memref<8192xi32, #tpu.memory_space<vmem>>, vector<16xi32>,
      %parallel_loop3A_141 = arith.addi %parallel_loop3A_134, %parallel_loop3A_140 : vector<16xi32>
      %parallel_loop3A_142 = arith.constant 16 : i32
      %parallel_loop3A_143 = arith.muli %parallel_loop3A_46, %parallel_loop3A_142 : i32
      %parallel_loop3A_144 = arith.constant 7168 : i32
      %parallel_loop3A_145 = arith.addi %parallel_loop3A_144, %parallel_loop3A_143 : i32
      %parallel_loop3A_146 = arith.index_cast %parallel_loop3A_145 : i32 to index
      %parallel_loop3A_147 = tpu.vector_load %arg7[%parallel_loop3A_146] {strides = array<i32>} : memref<8192xi32, #tpu.memory_space<vmem>>, vector<16xi32>,
      %parallel_loop3A_148 = arith.addi %parallel_loop3A_141, %parallel_loop3A_147 : vector<16xi32>
      %parallel_loop3A_149 = arith.constant 16 : i32
      %parallel_loop3A_150 = arith.muli %parallel_loop3A_46, %parallel_loop3A_149 : i32
      %parallel_loop3A_151 = arith.constant 7680 : i32
      %parallel_loop3A_152 = arith.addi %parallel_loop3A_151, %parallel_loop3A_150 : i32
      %parallel_loop3A_153 = arith.index_cast %parallel_loop3A_152 : i32 to index
      %parallel_loop3A_154 = tpu.vector_load %arg7[%parallel_loop3A_153] {strides = array<i32>} : memref<8192xi32, #tpu.memory_space<vmem>>, vector<16xi32>,
      %parallel_loop3A_155 = arith.addi %parallel_loop3A_148, %parallel_loop3A_154 : vector<16xi32>
      %parallel_loop3A_156 = arith.constant 16 : i32
      %parallel_loop3A_157 = arith.muli %parallel_loop3A_46, %parallel_loop3A_156 : i32
      %parallel_loop3A_158 = arith.index_cast %parallel_loop3A_157 : i32 to index
      %parallel_loop3A_159 = tpu.vector_load %arg8[%parallel_loop3A_158] {strides = array<i32>} : memref<512xi32, #tpu.memory_space<vmem>>, vector<16xi32>,
      tpu.vector_store %arg8[%parallel_loop3A_158], %parallel_loop3A_155 {strides = array<i32>} : memref<512xi32, #tpu.memory_space<vmem>>, vector<16xi32>,
    } {sc.loop_unroll_factor = 2 : i64, sc.parallel_access}
    "tpu.region"() ({
      %run_scoped3A = tpu.sem_alloc : memref<!tpu.dma_semaphore, #tpu.memory_space<semaphore_mem>>
      %dma_start3A_46 = arith.constant 0 : i32
      %dma_start3A_47 = tpu.memref_slice %arg4[%add3A, %dma_start3A_46] : memref<32x512xi32, #tpu.memory_space<hbm>> -> memref<1x512xi32, #tpu.memory_space<hbm>>
      %dma_start3A_48 = tpu.memref_squeeze %dma_start3A_47 : memref<1x512xi32, #tpu.memory_space<hbm>> -> memref<512xi32, #tpu.memory_space<hbm>>
      %dma_start3A_49 = arith.constant 0 : i32
      %dma_start3A_50 = tpu.memref_slice %arg4[%add3A, %dma_start3A_49] : memref<32x512xi32, #tpu.memory_space<hbm>> -> memref<1x512xi32, #tpu.memory_space<hbm>>
      %dma_start3A_51 = tpu.memref_squeeze %dma_start3A_50 : memref<1x512xi32, #tpu.memory_space<hbm>> -> memref<512xi32, #tpu.memory_space<hbm>>
      tpu.enqueue_dma source(%arg8 : memref<512xi32, #tpu.memory_space<vmem>>) target(%dma_start3A_51 : memref<512xi32, #tpu.memory_space<hbm>>) target_semaphore(%run_scoped3A : memref<!tpu.dma_semaphore, #tpu.memory_space<semaphore_mem>>)
      %dma_wait3A = arith.constant 0 : i32
      %dma_wait3A_52 = tpu.memref_slice %arg4[%add3A, %dma_wait3A] : memref<32x512xi32, #tpu.memory_space<hbm>> -> memref<1x512xi32, #tpu.memory_space<hbm>>
      %dma_wait3A_53 = tpu.memref_squeeze %dma_wait3A_52 : memref<1x512xi32, #tpu.memory_space<hbm>> -> memref<512xi32, #tpu.memory_space<hbm>>
      %dma_wait3A_54 = arith.constant 0 : i32
      %dma_wait3A_55 = tpu.memref_slice %arg4[%add3A, %dma_wait3A_54] : memref<32x512xi32, #tpu.memory_space<hbm>> -> memref<1x512xi32, #tpu.memory_space<hbm>>
      %dma_wait3A_56 = tpu.memref_squeeze %dma_wait3A_55 : memref<1x512xi32, #tpu.memory_space<hbm>> -> memref<512xi32, #tpu.memory_space<hbm>>
      tpu.wait_dma2 semaphore(%run_scoped3A : memref<!tpu.dma_semaphore, #tpu.memory_space<semaphore_mem>>) src(%arg8 : memref<512xi32, #tpu.memory_space<vmem>>) dst(%dma_wait3A_56 : memref<512xi32, #tpu.memory_space<hbm>>)
      tpu.yield
    }) : () -> ()
    return
  }
}

module attributes {stable_mosaic.version = 14 : i64} {
  func.func @_metric_body(%arg0: memref<32x512xi32, #tpu.memory_space<vmem>>, %arg1: memref<1x1xf32, #tpu.memory_space<smem>>) attributes {dimension_semantics = [], scalar_prefetch = 0 : i64, scratch_operands = 0 : i64, tpu.core_type = #tpu.core_type<tc>} {
    %get3A = arith.constant 0 : index
    %get3A_0 = arith.constant 0 : index
    %get3A_1 = vector.load %arg0[%get3A, %get3A_0] : memref<32x512xi32, #tpu.memory_space<vmem>>, vector<32x512xi32>
    %reduce_sum3A = arith.constant dense<0> : vector<512xi32>
    %reduce_sum3A_2 = vector.multi_reduction <add>, %get3A_1, %reduce_sum3A [0] : vector<32x512xi32> to vector<512xi32>
    %broadcast_in_dim3A = vector.shape_cast %reduce_sum3A_2 : vector<512xi32> to vector<1x512xi32>
    %convert_element_type3A = arith.sitofp %broadcast_in_dim3A : vector<1x512xi32> to vector<1x512xf32>
    %iota3A = tpu.iota {dimensions = array<i32: 1>} : vector<32x512xi32>
    %iota3A_3 = tpu.iota {dimensions = array<i32: 0>} : vector<32x512xi32>
    %jit3A = arith.constant 21 : i32
    %div3A = vector.broadcast %jit3A : i32 to vector<32x512xi32>
    %div3A_4 = arith.divsi %iota3A, %div3A : vector<32x512xi32>
    %sign3A = arith.constant 0 : i32
    %sign3A_5 = vector.broadcast %sign3A : i32 to vector<32x512xi32>
    %sign3A_6 = arith.cmpi sgt, %iota3A, %sign3A_5 : vector<32x512xi32>
    %sign3A_7 = arith.extui %sign3A_6 : vector<32x512xi1> to vector<32x512xi32>
    %sign3A_8 = arith.constant 0 : i32
    %sign3A_9 = vector.broadcast %sign3A_8 : i32 to vector<32x512xi32>
    %sign3A_10 = arith.cmpi slt, %iota3A, %sign3A_9 : vector<32x512xi32>
    %sign3A_11 = arith.extui %sign3A_10 : vector<32x512xi1> to vector<32x512xi32>
    %sign3A_12 = arith.subi %sign3A_7, %sign3A_11 : vector<32x512xi32>
    %sign3A_13 = arith.constant 0 : i32
    %sign3A_14 = arith.cmpi sgt, %jit3A, %sign3A_13 : i32
    %sign3A_15 = arith.extui %sign3A_14 : i1 to i32
    %sign3A_16 = arith.constant 0 : i32
    %sign3A_17 = arith.cmpi slt, %jit3A, %sign3A_16 : i32
    %sign3A_18 = arith.extui %sign3A_17 : i1 to i32
    %sign3A_19 = arith.subi %sign3A_15, %sign3A_18 : i32
    %ne3A = vector.broadcast %sign3A_19 : i32 to vector<32x512xi32>
    %ne3A_20 = arith.cmpi ne, %sign3A_12, %ne3A : vector<32x512xi32>
    %rem3A = vector.broadcast %jit3A : i32 to vector<32x512xi32>
    %rem3A_21 = arith.remsi %iota3A, %rem3A : vector<32x512xi32>
    %ne3A_22 = arith.constant 0 : i32
    %ne3A_23 = vector.broadcast %ne3A_22 : i32 to vector<32x512xi32>
    %ne3A_24 = arith.cmpi ne, %rem3A_21, %ne3A_23 : vector<32x512xi32>
    %and3A = arith.andi %ne3A_20, %ne3A_24 : vector<32x512xi1>
    %sub3A = arith.constant 1 : i32
    %sub3A_25 = vector.broadcast %sub3A : i32 to vector<32x512xi32>
    %sub3A_26 = arith.subi %div3A_4, %sub3A_25 : vector<32x512xi32>
    %select_n3A = arith.select %and3A, %sub3A_26, %div3A_4 : vector<32x512xi1>, vector<32x512xi32>
    %mul3A = arith.constant 21 : i32
    %mul3A_27 = vector.broadcast %mul3A : i32 to vector<32x512xi32>
    %mul3A_28 = arith.muli %select_n3A, %mul3A_27 : vector<32x512xi32>
    %sub3A_29 = arith.subi %iota3A, %mul3A_28 : vector<32x512xi32>
    %lt3A = arith.constant 441 : i32
    %lt3A_30 = vector.broadcast %lt3A : i32 to vector<32x512xi32>
    %lt3A_31 = arith.cmpi slt, %iota3A, %lt3A_30 : vector<32x512xi32>
    %broadcast_in_dim3A_32 = vector.shape_cast %convert_element_type3A : vector<1x512xf32> to vector<1x512xf32>
    %broadcast_in_dim3A_33 = vector.broadcast %broadcast_in_dim3A_32 : vector<1x512xf32> to vector<32x512xf32>
    %broadcast_in_dim3A_34 = arith.constant 0.000000e+00 : f32
    %broadcast_in_dim3A_35 = vector.broadcast %broadcast_in_dim3A_34 : f32 to vector<32x512xf32>
    %eq3A = arith.cmpi eq, %select_n3A, %iota3A_3 : vector<32x512xi32>
    %and3A_36 = arith.andi %lt3A_31, %eq3A : vector<32x512xi1>
    %select_n3A_37 = arith.select %and3A_36, %broadcast_in_dim3A_33, %broadcast_in_dim3A_35 : vector<32x512xi1>, vector<32x512xf32>
    %reduce_sum3A_38 = arith.constant dense<0.000000e+00> : vector<32xf32>
    %reduce_sum3A_39 = vector.multi_reduction <add>, %select_n3A_37, %reduce_sum3A_38 [1] : vector<32x512xf32> to vector<32xf32>
    %broadcast_in_dim3A_40 = vector.shape_cast %reduce_sum3A_39 : vector<32xf32> to vector<32x1xf32>
    %eq3A_41 = arith.cmpi eq, %sub3A_29, %iota3A_3 : vector<32x512xi32>
    %and3A_42 = arith.andi %lt3A_31, %eq3A_41 : vector<32x512xi1>
    %select_n3A_43 = arith.select %and3A_42, %broadcast_in_dim3A_33, %broadcast_in_dim3A_35 : vector<32x512xi1>, vector<32x512xf32>
    %reduce_sum3A_44 = arith.constant dense<0.000000e+00> : vector<32xf32>
    %reduce_sum3A_45 = vector.multi_reduction <add>, %select_n3A_43, %reduce_sum3A_44 [1] : vector<32x512xf32> to vector<32xf32>
    %broadcast_in_dim3A_46 = vector.shape_cast %reduce_sum3A_45 : vector<32xf32> to vector<32x1xf32>
    %eq3A_47 = arith.cmpi eq, %select_n3A, %iota3A_3 : vector<32x512xi32>
    %and3A_48 = arith.andi %lt3A_31, %eq3A_47 : vector<32x512xi1>
    %eq3A_49 = arith.cmpi eq, %sub3A_29, %iota3A_3 : vector<32x512xi32>
    %and3A_50 = arith.andi %and3A_48, %eq3A_49 : vector<32x512xi1>
    %select_n3A_51 = arith.select %and3A_50, %broadcast_in_dim3A_33, %broadcast_in_dim3A_35 : vector<32x512xi1>, vector<32x512xf32>
    %reduce_sum3A_52 = arith.constant dense<0.000000e+00> : vector<32xf32>
    %reduce_sum3A_53 = vector.multi_reduction <add>, %select_n3A_51, %reduce_sum3A_52 [1] : vector<32x512xf32> to vector<32xf32>
    %broadcast_in_dim3A_54 = vector.shape_cast %reduce_sum3A_53 : vector<32xf32> to vector<32x1xf32>
    %reduce_sum3A_55 = vector.shape_cast %convert_element_type3A : vector<1x512xf32> to vector<1x1x512xf32>
    %reduce_sum3A_56 = arith.constant dense<0.000000e+00> : vector<1xf32>
    %reduce_sum3A_57 = vector.multi_reduction <add>, %reduce_sum3A_55, %reduce_sum3A_56 [1, 2] : vector<1x1x512xf32> to vector<1xf32>
    %reduce_sum3A_58 = vector.shape_cast %reduce_sum3A_57 : vector<1xf32> to vector<1x1x1xf32>
    %reduce_sum3A_59 = vector.extract %reduce_sum3A_58[0, 0, 0] : f32 from vector<1x1x1xf32>
    %sub3A_60 = arith.subf %broadcast_in_dim3A_46, %broadcast_in_dim3A_54 : vector<32x1xf32>
    %sub3A_61 = arith.subf %broadcast_in_dim3A_40, %broadcast_in_dim3A_54 : vector<32x1xf32>
    %sub3A_62 = vector.broadcast %reduce_sum3A_59 : f32 to vector<32x1xf32>
    %sub3A_63 = arith.subf %sub3A_62, %broadcast_in_dim3A_54 : vector<32x1xf32>
    %sub3A_64 = arith.subf %sub3A_63, %sub3A_61 : vector<32x1xf32>
    %sub3A_65 = arith.subf %sub3A_64, %sub3A_60 : vector<32x1xf32>
    %add3A = arith.addf %broadcast_in_dim3A_54, %sub3A_65 : vector<32x1xf32>
    %div3A_66 = vector.broadcast %reduce_sum3A_59 : f32 to vector<32x1xf32>
    %div3A_67 = arith.divf %add3A, %div3A_66 : vector<32x1xf32>
    %gt3A = arith.constant 0.000000e+00 : f32
    %gt3A_68 = vector.broadcast %gt3A : f32 to vector<32x1xf32>
    %gt3A_69 = arith.cmpf ogt, %broadcast_in_dim3A_40, %gt3A_68 : vector<32x1xf32>
    %broadcast_in_dim3A_70 = arith.constant 0.000000e+00 : f32
    %broadcast_in_dim3A_71 = vector.broadcast %broadcast_in_dim3A_70 : f32 to vector<32x1xf32>
    %select_n3A_72 = arith.select %gt3A_69, %div3A_67, %broadcast_in_dim3A_71 : vector<32x1xi1>, vector<32x1xf32>
    %reduce_sum3A_73 = vector.shape_cast %select_n3A_72 : vector<32x1xf32> to vector<1x32x1xf32>
    %reduce_sum3A_74 = arith.constant dense<0.000000e+00> : vector<1xf32>
    %reduce_sum3A_75 = vector.multi_reduction <add>, %reduce_sum3A_73, %reduce_sum3A_74 [1, 2] : vector<1x32x1xf32> to vector<1xf32>
    %reduce_sum3A_76 = vector.shape_cast %reduce_sum3A_75 : vector<1xf32> to vector<1x1x1xf32>
    %reduce_sum3A_77 = vector.extract %reduce_sum3A_76[0, 0, 0] : f32 from vector<1x1x1xf32>
    %convert_element_type3A_78 = arith.extui %gt3A_69 : vector<32x1xi1> to vector<32x1xi32>
    %convert_element_type3A_79 = arith.sitofp %convert_element_type3A_78 : vector<32x1xi32> to vector<32x1xf32>
    %reduce_sum3A_80 = vector.shape_cast %convert_element_type3A_79 : vector<32x1xf32> to vector<1x32x1xf32>
    %reduce_sum3A_81 = arith.constant dense<0.000000e+00> : vector<1xf32>
    %reduce_sum3A_82 = vector.multi_reduction <add>, %reduce_sum3A_80, %reduce_sum3A_81 [1, 2] : vector<1x32x1xf32> to vector<1xf32>
    %reduce_sum3A_83 = vector.shape_cast %reduce_sum3A_82 : vector<1xf32> to vector<1x1x1xf32>
    %reduce_sum3A_84 = vector.extract %reduce_sum3A_83[0, 0, 0] : f32 from vector<1x1x1xf32>
    %div3A_85 = arith.divf %reduce_sum3A_77, %reduce_sum3A_84 : f32
    %swap3A = arith.constant 0 : index
    %swap3A_86 = arith.constant 0 : index
    %swap3A_87 = memref.load %arg1[%swap3A, %swap3A_86] : memref<1x1xf32, #tpu.memory_space<smem>>
    memref.store %div3A_85, %arg1[%swap3A, %swap3A_86] : memref<1x1xf32, #tpu.memory_space<smem>>
    return
  }
}

</mosaic_0001>

<sc_bundles>
// kernel: kernel.4.cloned.1.call-start
scs
__scs_entry_jumppad:
0x0: {  	(pc) =	sbr.rel $0x88, $3  }
0x1: {  	(tag) =	ssettag $0x0;
	lr =	simm.s32 $0x1  }
0x2: {  	[smem:$0x3F9F] =	sst lr;
	_ =	strace $0xD0000000  }
0x3: {  	_ = 	snop  }
0x4: {  	_ = 	snop  }
0x5: {  	_ = 	snop  }
0x6: {  	_ = 	snop  }
0x7: {  	_ = 	snop  }
__scs_overlays_trampoline_lowered:
0x8: {  	[smem:$0x3FAE] =	sst s0  }
0x9: {  	[smem:$0x3FAF] =	sst s1  }
0xa: {  	[smem:$0x3FB0] =	sst s2  }
0xb: {  	[smem:$0x3FB1] =	sst s3  }
0xc: {  	[smem:$0x3FB2] =	sst s4  }
0xd: {  	[smem:$0x3FB3] =	sst s5  }
0xe: {  	[smem:$0x3FB4] =	sst s6  }
0xf: {  	[smem:$0x3FB5] =	sst s7  }
0x10: {  	[smem:$0x3FB6] =	sst s8  }
0x11: {  	[smem:$0x3FB7] =	sst s9;
	s0 =	simm.s32 @!p0 $0x0  }
0x12: {  	s1 =	sld [smem:$0x3F9D];
	s0 =	simm.s32 @p0 $0x1  }
0x13: {  	[smem:$0x3FB8] =	sst s0;
	s0 =	simm.s32 @!p1 $0x0  }
0x14: {  	s2 =	sld [smem:$0x3F9C];
	s0 =	simm.s32 @p1 $0x1  }
0x15: {  	[smem:$0x3FB9] =	sst s0;
	s0 =	simm.s32 @!p2 $0x0  }
0x16: {  	s3 =	sld [smem:$0x3FDB];
	s0 =	simm.s32 @p2 $0x1  }
0x17: {  	s4 =	simm.s32 $0x1BF5;
	[smem:$0x3FBB] =	sst s0  }
0x18: {  	s0 =	sld [smem:$0x3F9E];
	_ =	swait.ge [sflag:s4], $0x0  }
0x19: {  	s7 =	sld [smem:$0x3F9F]  }
0x1a: {  	s8 =	sadd.s32 $0xFFFFE003, lr  }
0x1b: {  	s9 =	sadd.s32 $0xFFFFFEF7, lr;
	s5 =	simm.s32 $0xFFFFFFFF;
	p2 =	slt.u32 s8, $0xFFFFF086  }
0x1c: {  	p1 =	slt.u32 s9, $0xF7A;
	s5 =	simm.s32 @!p2 $0x0  }
0x1d: {  	s5 =	simm.s32 @p1 $0x1;
	p0 =	seq.s32 s7, s2  }
0x1e: {  	s7 =	smul.u32 @!p0 $0xF7A, s2;
	p2 =	seq.s32 @!p0 s5, $0x0  }
0x1f: {  	s9 =	smul.u32 $0xF7A, s1;
	s8 =	simm.s32 @!p0 $0x1BF5;
	p2 =	por !p2, p0  }
0x20: {  	[sflag:s8] =	ssyncset.s32 @!p0 $0xFFFFF086;
	s6 =	sadd.s32 @!p0 s3, s7;
	s7 =	simm.s32 @!p0 $0x108  }
0x21: {  	s3 =	sadd.s32 s3, s9;
	s6 =	sadd.s32 @!p0 $0x88, s6;
	s7 =	simm.s32 @p2 $0x1082  }
0x22: {  	[simem:s7], [sflag:s8] =	dma.local @!p0 [hbm:s6], $0xF7A  }
0x23: {  	s9 =	sor.u32 $0xD0000000, s2;
	s6 =	simm.s32 $0x108;
	_ =	swait.ge @!p0 [sflag:s8], $0x0  }
0x24: {  	s3 =	sadd.s32 $0x88, s3;
	s6 =	simm.s32 @!p1 $0x1082;
	[sflag:s4] =	ssyncset.s32 $0xFFFFF086  }
0x25: {  	[simem:s6], [sflag:s4] =	dma.local [hbm:s3], $0xF7A  }
0x26: {  	[smem:$0x3F9F] =	sst s1;
	(tag) =	ssettag s2;
	_ =	strace s9  }
0x27: {  	s1 =	sld [smem:$0x3FAF]  }
0x28: {  	s2 =	sld [smem:$0x3FB0]  }
0x29: {  	s4 =	sld [smem:$0x3FB2]  }
0x2a: {  	p0 =	seq.s32 s5, $0x0;
	s5 =	sld [smem:$0x3FB3]  }
0x2b: {  	s6 =	sld [smem:$0x3FB4]  }
0x2c: {  	s7 =	sld [smem:$0x3FB5]  }
0x2d: {  	s3 =	simm.s32 $0x108;
	s8 =	sld [smem:$0x3FB6]  }
0x2e: {  	s3 =	simm.s32 @!p0 $0x1082;
	s9 =	sld [smem:$0x3FB7]  }
0x2f: {  	lr =	sadd.s32 s0, s3;
	s0 =	sld [smem:$0x3FAE]  }
0x30: {  	s3 =	sld [smem:$0x3FB1]  }
0x31: {  	[smem:$0x3FBA] =	sst s10  }
0x32: {  	s10 =	sld [smem:$0x3FB8];
	_ =	sdelay $0x3  }
0x33: {  	p0 =	seq.s32 s10, $0x1;
	s10 =	sld [smem:$0x3FBA];
	_ =	sdelay $0x3  }
0x34: {  	[smem:$0x3FBA] =	sst s10  }
0x35: {  	s10 =	sld [smem:$0x3FB9];
	_ =	sdelay $0x3  }
0x36: {  	p1 =	seq.s32 s10, $0x1;
	s10 =	sld [smem:$0x3FBA];
	_ =	sdelay $0x3  }
0x37: {  	[smem:$0x3FBA] =	sst s10  }
0x38: {  	s10 =	sld [smem:$0x3FBB]  }
0x39: {  	_ = 	snop;
	(pc) =	sbr.ind lr, $3  }
0x3a: {  	_ = 	snop  }
0x3b: {  	_ = 	snop  }
0x3c: {  	p2 =	seq.s32 s10, $0x1;
	s10 =	sld [smem:$0x3FBA]  }
0x3d: {  	_ =	shalt  }
0x3e: {  	_ =	shalt  }
0x3f: {  	_ =	shalt  }
0x40: {  	_ =	shalt  }
0x41: {  	_ =	shalt  }
0x42: {  	_ =	shalt  }
0x43: {  	_ =	shalt  }
0x44: {  	_ =	shalt  }
0x45: {  	_ =	shalt  }
0x46: {  	_ =	shalt  }
0x47: {  	_ =	shalt  }
0x48: {  	_ =	shalt  }
0x49: {  	_ =	shalt  }
0x4a: {  	_ =	shalt  }
0x4b: {  	_ =	shalt  }
0x4c: {  	_ =	shalt  }
0x4d: {  	_ =	shalt  }
0x4e: {  	_ =	shalt  }
0x4f: {  	_ =	shalt  }
0x50: {  	_ =	shalt  }
0x51: {  	_ =	shalt  }
0x52: {  	_ =	shalt  }
0x53: {  	_ =	shalt  }
0x54: {  	_ =	shalt  }
0x55: {  	_ =	shalt  }
0x56: {  	_ =	shalt  }
0x57: {  	_ =	shalt  }
0x58: {  	_ =	shalt  }
0x59: {  	_ =	shalt  }
0x5a: {  	_ =	shalt  }
0x5b: {  	_ =	shalt  }
0x5c: {  	_ =	shalt  }
0x5d: {  	_ =	shalt  }
0x5e: {  	_ =	shalt  }
0x5f: {  	_ =	shalt  }
0x60: {  	_ =	shalt  }
0x61: {  	_ =	shalt  }
0x62: {  	_ =	shalt  }
0x63: {  	_ =	shalt  }
0x64: {  	_ =	shalt  }
0x65: {  	_ =	shalt  }
0x66: {  	_ =	shalt  }
0x67: {  	_ =	shalt  }
0x68: {  	_ =	shalt  }
0x69: {  	_ =	shalt  }
0x6a: {  	_ =	shalt  }
0x6b: {  	_ =	shalt  }
0x6c: {  	_ =	shalt  }
0x6d: {  	_ =	shalt  }
0x6e: {  	_ =	shalt  }
0x6f: {  	_ =	shalt  }
0x70: {  	_ =	shalt  }
0x71: {  	_ =	shalt  }
0x72: {  	_ =	shalt  }
0x73: {  	_ =	shalt  }
0x74: {  	_ =	shalt  }
0x75: {  	_ =	shalt  }
0x76: {  	_ =	shalt  }
0x77: {  	_ =	shalt  }
0x78: {  	_ =	shalt  }
0x79: {  	_ =	shalt  }
0x7a: {  	_ =	shalt  }
0x7b: {  	_ =	shalt  }
0x7c: {  	_ =	shalt  }
0x7d: {  	_ =	shalt  }
0x7e: {  	_ =	shalt  }
0x7f: {  	_ =	shalt  }
0x80: {  	_ =	shalt  }
0x81: {  	_ =	shalt  }
0x82: {  	_ =	shalt  }
0x83: {  	_ =	shalt  }
0x84: {  	_ =	shalt  }
0x85: {  	_ =	shalt  }
0x86: {  	_ =	shalt  }
0x87: {  	_ =	shalt  }
.Lfunc_end0:
.L_simem_size_0:
called_computation_lowered:
.L_overlay_start_0:
0x88: {  	s2 =	sld [smem:$0x3FD9]  }
0x89: {  	s3 =	sld [smem:$0x3FFE];
	_ =	sdelay $0x1  }
0x8a: {  	s1 =	srdreg.scid  }
0x8b: {  	s0 =	sand.u32 $0x1, s1  }
0x8c: {  	s17 =	sshll.u32 s0, $0xA;
	s2 =	sadd.s32 s3, s2  }
0x8d: {  	s2 =	sadd.s32 s2, s17  }
0x8e: {  	[smem:$0x3FC6] =	sst s2  }
0x8f: {  	_ = 	snop  }
0x90: {  	s2 =	sld [smem:$0x3FC9]  }
0x91: {  	s18 =	sld [smem:$0x3FC8];
	(tm) =	ssettm $0x1  }
0x92: {  	s4 =	sld [smem:$0x3FFB];
	_ =	sdelay $0x3  }
0x93: {  	_ =	strace s4  }
0x94: {  	s4 =	sld [smem:$0x3FFC];
	_ =	sdelay $0x3  }
0x95: {  	_ =	strace s4  }
0x96: {  	s4 =	sld [smem:$0x3FFD];
	_ =	sdelay $0x3  }
0x97: {  	_ =	strace s4  }
0x98: {  	_ =	strace $0x8FFFFFFF  }
0x99: {  	s19 =	sld [smem:$0x3FDB];
	_ =	sdelay $0x1  }
0x9a: {  	s5 =	simm.s32 $_scs_section_size  }
0x9b: {  	s6 =	simm.s32 $_size__tile_overlayer_lowered;
	s7 =	simm.s32 $_tile_overlayer_lowered  }
0x9c: {  	s22 =	simm.s32 $0x1BFF;
	s21 =	sshll.u32 s7, $0x1;
	s4 =	sadd.s32 s5, s19  }
0x9d: {  	s8 =	simm.s32 $0x0;
	s20 =	sshll.u32 s6, $0x1;
	s6 =	sadd.s32 s21, s4  }
0x9e: {  	[timem:s8], [sflag:s22] =	dma.local [hbm:s6], s20  }
0x9f: {  	_ =	swait.ge [sflag:s22], s20  }
0xa0: {  	s5 =	ssub.s32 $0x0, s20;
	[sflag:s22] =	ssyncset.done $0x0  }
0xa1: {  	[sflag:s22] =	ssyncadd.s32 s5;
	_ =	sdelay $0x1  }
0xa2: {  	s23 =	simm.s32 $0x1B8B  }
0xa3: {  	_ =	swait.ge [sflag:s23], $0x1  }
0xa4: {  	[sflag:s23] =	ssyncset.done $0x0  }
0xa5: {  	s25 =	simm.s32 $0x1B8E;
	s24 =	sld [smem:$0x3FFE];
	[sflag:s23] =	ssyncadd.s32 $0xFFFFFFFF  }
0xa6: {  	s26 =	simm.s32 $execute0_lowered;
	[smem:$0x3FD2] =	sst s25  }
0xa7: {  	s6 =	sshll.u32 s26, $0x1;
	_ =	strace $0x80000046;
	[dreg:$0x1] =	wrdreg $0xFFFFFFFF  }
0xa8: {  	s28 =	simm.s32 $_size_execute0_lowered;
	s4 =	sadd.s32 s4, s6;
	[dreg:$0x0] =	wrdreg $0x0  }
0xa9: {  	s6 =	sshll.u32 s28, $0x1;
	[dreg:$0x2] =	wrdreg s4  }
0xaa: {  	[dreg:$0x3] =	wrdreg s6  }
0xab: {  	[dreg:$0x4] =	wrdreg $0xC0  }
0xac: {  	_ =	task [dreg:s8], $0x5FFFF  }
0xad: {  	[dreg:$0x1] =	wrdreg $0xFFFFFFFF  }
0xae: {  	[dreg:$0x0] =	wrdreg $0x60  }
0xaf: {  	[dreg:$0x2] =	wrdreg s2  }
0xb0: {  	[dreg:$0x3] =	wrdreg s18  }
0xb1: {  	[dreg:$0x4] =	wrdreg s24  }
0xb2: {  	[dreg:$0x5] =	wrdreg $0x9  }
0xb3: {  	_ =	task.clear_ibuf [dreg:s8], $0x6FFFF;
	_ =	strace $0x90000046  }
0xb4: {  	s29 =	simm.s32 $0x9;
	_ =	strace $0x80000048  }
0xb5: {  	_ =	swait.ge [sflag:s29], $0x1  }
0xb6: {  	[sflag:s29] =	ssyncadd.s32 $0xFFFFFFFF  }
0xb7: {  	_ =	strace $0x90000048  }
0xb8: {  	_ =	sfence  }
0xb9: {  	s30 =	sld [smem:$0x0];
	_ =	sdelay $0x2  }
0xba: {  	s31 =	sshll.u32 s1, $0xD;
	s1 =	sshrl.u32 s1, $0x2  }
0xbb: {  	s3 =	sand.u32 $0x4000, s31;
	s1 =	sadd.s32 s1, s30  }
0xbc: {  	s0 =	sor.u32 s3, s0;
	s1 =	sshll.u32 s1, $0x11  }
0xbd: {  	s0 =	sor.u32 s1, s0  }
0xbe: {  	s0 =	sadd.s32 $0x8F2B, s0  }
0xbf: {  	[sflag:s0] =	ssyncadd.remote.s32 $0x1  }
0xc0: {  	_ =	sfence.sel $0xFFFF  }
0xc1: {  	[dreg:$0x0] =	wrdreg $0xFFFFFFFF;
	(pc) =	sbr.abs _section_cstart, $3  }
0xc2: {  	[dreg:$0x1] =	wrdreg $0xFFFFFFFF  }
0xc3: {  	_ =	task.clear_ibuf [dreg:s8], $0x2FFFF;
	_ =	strace $0x9FFFFFFF  }
0xc4: {  	(tm) =	ssettm $0x7FFFFFFF  }
0xc5: {  	_ =	shalt  }
tec
execute0_lowered:
.L_overlay_start_1:
0x0: {  	(tag) =	ssettag $0x1  }
0x1: {  	s3 =	rddreg [dreg:$0x0]  }
0x2: {  	s0 =	srdreg.scid;
	s4 =	rddreg [dreg:$0x1]  }
0x3: {  	s1 =	stileid.u32;
	s2 =	rddreg [dreg:$0x2];
	s8 =	simm.s32 $0x0  }
0x4: {  	s0 =	sand.u32 $0x1, s0;
	s1 =	sshll.u32 s1, $0x1;
	[smem:$0x7FF] =	sst s8  }
0x5: {  	s1 =	sor.u32 s0, s1;
	s0 =	ssub.s32 $0x2, s0;
	_ =	strace $0x80000047  }
0x6: {  	s5 =	sshll.u32 s1, $0x9;
	s6 =	sshll.u32 s1, $0x7;
	s29 =	sshrl.u32 s0, $0x1  }
0x7: {  	s1 =	sshll.u32 s1, $0xF;
	s7 =	sand.u32 $0x3000, s5;
	s6 =	sand.u32 $0x380, s6  }
0x8: {  	s0 =	ssub.s32 s0, s29;
	s3 =	sadd.s32 s3, s1;
	[dreg:$0xa] =	wrdreg s5  }
0x9: {  	s1 =	sadd.s32 s4, s1;
	s6 =	sor.u32 s6, s7;
	[dreg:$0xb] =	wrdreg s3  }
0xa: {  	s30 =	sor.u32 $0x40, s5;
	[dreg:$0xc] =	wrdreg s1;
	s6 =	sshrl.u32 s6, $0x3  }
0xb: {  	[dreg:$0xd] =	wrdreg s30;
	s0 =	smax.u32 s0, $0x1;
	s2 =	sadd.s32 s6, s2  }
0xc: {  	v1 =	vlaneseq.u32;
	[dreg:$0xf] =	wrdreg s0;
	s31 =	sadd.s32 $0x600, s2  }
0xd: {  	v0 =	vimm.s32 $0x0;
	v2 =	vimm.s32 $0x1;
	v1 =	vmul.u32 $0x200, v1;
	s4 =	simm.s32 $0x10000;
	s2 =	simm.s32 $0x0;
	[dreg:$0xe] =	wrdreg s31  }
.LBB2_1:
0xe: {  	s0 =	simm.s32 $0x10040  }
0xf: {  	[tilespmem:s0+$0xFFFFFFC0] =	vst v0  }
0x10: {  	[tilespmem:s0+$0x30] =	vst v0  }
0x11: {  	[tilespmem:s0+$0x20] =	vst v0  }
0x12: {  	[tilespmem:s0+$0x10] =	vst v0  }
0x13: {  	[tilespmem:s0+$0x0] =	vst v0  }
0x14: {  	[tilespmem:s0+$0xFFFFFFF0] =	vst v0  }
0x15: {  	s1 =	simm.s32 $0x0;
	[tilespmem:s0+$0xFFFFFFE0] =	vst v0  }
.LBB2_2:
0x16: {  	s1 =	sadd.s32 $0x8, s1;
	[tilespmem:s0+$0xFFFFFFD0] =	vst v0;
	s0 =	sadd.s32 $0x80, s0  }
0x17: {  	[tilespmem:s0+$0xFFFFFFC0] =	vst v0;
	p0 =	slt.u32 s1, $0x1F8  }
0x18: {  	[tilespmem:s0+$0x30] =	vst v0  }
.Ltmp0:
0x19: {  	[tilespmem:s0+$0x20] =	vst v0;
	(pc) =	sbr.rel @p0 .LBB2_2-.Ltmp0, $4  }
0x1a: {  	[tilespmem:s0+$0x10] =	vst v0  }
0x1b: {  	[tilespmem:s0+$0x0] =	vst v0  }
0x1c: {  	[tilespmem:s0+$0xFFFFFFF0] =	vst v0  }
0x1d: {  	[tilespmem:s0+$0xFFFFFFE0] =	vst v0  }
0x1e: {  	[dreg:$0x10] =	wrdreg s2  }
0x1f: {  	[tilespmem:s0+$0xFFFFFFD0] =	vst v0  }
0x20: {  	s2 =	simm.s32 $0x0;
	s0 =	rddreg [dreg:$0xb]  }
0x21: {  	[tilespmem:s2], [sflag:$0x1] =	stream.linear.gather [hbm4b:s0+s2], $0x4000, $0x38;
	[tilespmem:$0x12200] =	vst v63  }
0x22: {  	s1 =	simm.s32 $0x8000;
	s31 =	rddreg [dreg:$0xc]  }
0x23: {  	[tilespmem:s1], [sflag:$0x3] =	stream.linear.gather [hbm4b:s31+s2], $0x4000, $0x38;
	[tilespmem:$0x12200] =	vst v63  }
.LBB2_4:
0x24: {  	[dreg:$0x11] =	wrdreg s2  }
0x25: {  	s0 =	rddreg [dreg:$0xa]  }
0x26: {  	s1 =	sshll.u32 s2, $0x6;
	s5 =	rddreg [dreg:$0x0]  }
0x27: {  	s6 =	simm.s32 $0x0;
	s3 =	simm.s32 $0x4000;
	s7 =	rddreg [dreg:$0x1]  }
0x28: {  	s8 =	simm.s32 $0xC000;
	s9 =	simm.s32 $0x1;
	s10 =	simm.s32 $0x3  }
0x29: {  	s26 =	simm.s32 $0x580;
	s11 =	simm.s32 $0xA0;
	s12 =	simm.s32 $0x500  }
0x2a: {  	s28 =	simm.s32 $0xB0;
	s19 =	simm.s32 $0x380;
	s20 =	simm.s32 $0x80  }
0x2b: {  	s21 =	simm.s32 $0x400;
	s22 =	simm.s32 $0x480;
	s23 =	simm.s32 $0x0  }
0x2c: {  	s18 =	simm.s32 $0x0;
	s24 =	simm.s32 $0x10;
	s0 =	sor.u32 s1, s0  }
0x2d: {  	[dreg:$0x12] =	wrdreg s1;
	s13 =	sand.u32 $0x7000, s11;
	s0 =	sshll.u32 s0, $0x6  }
0x2e: {  	s30 =	sand.u32 $0x3000, s23;
	s19 =	sand.u32 $0xC00, s19;
	s0 =	sor.u32 $0x800, s0  }
0x2f: {  	s20 =	sand.u32 $0x7000, s20;
	s16 =	sand.u32 $0xC00, s21;
	s1 =	sadd.s32 s5, s0  }
0x30: {  	[tilespmem:s3], [sflag:$0x2] =	stream.linear.gather [hbm4b:s1+s6], $0x4000, $0x38;
	[tilespmem:$0x12200] =	vst v63  }
0x31: {  	s22 =	sand.u32 $0xC00, s22;
	s25 =	sand.u32 $0x7000, s28;
	s0 =	sadd.s32 s7, s0  }
0x32: {  	[tilespmem:s8], [sflag:$0x4] =	stream.linear.gather [hbm4b:s0+s6], $0x4000, $0x38;
	[tilespmem:$0x12200] =	vst v63  }
0x33: {  	s7 =	simm.s32 $0x60;
	s5 =	simm.s32 $0x18;
	_ =	swait.ge [sflag:s9], $0x4000  }
0x34: {  	s1 =	sand.u32 $0x60, s11;
	s11 =	simm.s32 $0x200;
	[sflag:s9] =	ssyncset.done $0x0  }
0x35: {  	s0 =	sand.u32 $0xC00, s12;
	s6 =	simm.s32 $0x28;
	[sflag:s9] =	ssyncadd.s32 $0xFFFFC000  }
0x36: {  	s2 =	sor.u32 s0, s13;
	s6 =	sand.u32 $0x380, s6;
	_ =	swait.ge [sflag:s10], $0x4000  }
0x37: {  	s14 =	sand.u32 $0x7000, s7;
	s2 =	sor.u32 s6, s2;
	[sflag:s10] =	ssyncset.done $0x0  }
0x38: {  	s3 =	simm.s32 $0x14;
	s2 =	sor.u32 s1, s2;
	[sflag:s10] =	ssyncadd.s32 $0xFFFFC000  }
0x39: {  	s11 =	sand.u32 $0xC00, s11;
	s12 =	simm.s32 $0x280;
	s8 =	simm.s32 $0x1C;
	v3 =	vld [tilespmem:s2+$0x8000]  }
0x3a: {  	s0 =	simm.s32 $0x40;
	s13 =	simm.s32 $0x300;
	s12 =	sand.u32 $0xC00, s12  }
0x3b: {  	s6 =	simm.s32 $0x90;
	s29 =	sand.u32 $0x7000, s0;
	s13 =	sand.u32 $0xC00, s13;
	v4 =	vld [tilespmem:s2+$0x0]  }
0x3c: {  	s0 =	sand.u32 $0x40, s0;
	s9 =	simm.s32 $0x50;
	s1 =	simm.s32 $0x70  }
0x3d: {  	s11 =	sor.u32 s11, s29;
	s17 =	sand.u32 $0x7000, s6;
	s13 =	sor.u32 s13, s14  }
0x3e: {  	s29 =	sand.u32 $0x380, s24;
	s14 =	simm.s32 $0x20;
	s31 =	sand.u32 $0x7000, s9;
	v3 =	vmul.u32 $0x15, v3  }
0x3f: {  	s15 =	sand.u32 $0x7000, s1;
	s21 =	sor.u32 s22, s17;
	s11 =	sor.u32 s29, s11  }
0x40: {  	s22 =	sand.u32 $0x380, s3;
	s17 =	sand.u32 $0x40, s23;
	s9 =	sand.u32 $0x50, s9;
	v3 =	vadd.s32 v3, v4  }
0x41: {  	s29 =	sand.u32 $0x70, s1;
	s12 =	sor.u32 s12, s31;
	s10 =	simm.s32 $0x0;
	v3 =	vadd.s32 v1, v3  }
0x42: {  	s19 =	sor.u32 s19, s15;
	s31 =	sand.u32 $0xC00, s26;
	s10 =	sand.u32 $0xC00, s10  }
0x43: {  	s2 =	sor.u32 s20, s16;
	s10 =	sor.u32 s10, s30;
	s30 =	sand.u32 $0x380, s18  }
0x44: {  	s16 =	simm.s32 $0x24;
	s10 =	sor.u32 s30, s10;
	s30 =	sand.u32 $0x380, s5  }
0x45: {  	s15 =	sand.u32 $0x380, s8;
	s30 =	sor.u32 s30, s13;
	s13 =	sand.u32 $0x380, s16  }
0x46: {  	s23 =	sor.u32 s0, s11;
	s18 =	sor.u32 s13, s21;
	s13 =	sor.u32 s17, s10;
	[tilespmem:v3+s4+$0x0] =	vst.idx.add.s32.msk $0xffff, v2  }
0x47: {  	s12 =	sor.u32 s22, s12;
	s22 =	sand.u32 $0x380, s14;
	s19 =	sor.u32 s15, s19;
	v3 =	vld [tilespmem:s13+$0x8000]  }
0x48: {  	s20 =	sor.u32 s31, s25;
	v5 =	vld [tilespmem:s23+$0x8000];
	s22 =	sor.u32 s22, s2;
	s2 =	simm.s32 $0x2C  }
0x49: {  	s25 =	sand.u32 $0x60, s7;
	s31 =	sand.u32 $0x70, s28;
	s24 =	sand.u32 $0x380, s2;
	v6 =	vld [tilespmem:s13+$0x8010]  }
0x4a: {  	s5 =	sor.u32 s24, s20;
	s20 =	sor.u32 s17, s22;
	s10 =	sor.u32 s9, s12;
	v8 =	vld [tilespmem:s13+$0x8020]  }
0x4b: {  	s7 =	sor.u32 s25, s30;
	s21 =	sor.u32 s29, s19;
	s30 =	sand.u32 $0x50, s6;
	v7 =	vld [tilespmem:s13+$0x8030]  }
0x4c: {  	s11 =	sor.u32 s31, s5;
	s25 =	simm.s32 $0x0;
	s19 =	sor.u32 s30, s18;
	v4 =	vld [tilespmem:s10+$0x8000];
	v3 =	vmul.u32 $0x15, v3  }
.LBB2_5:
0x4d: {  	v9 =	vld [tilespmem:s7+$0x8000]  }
0x4e: {  	v11 =	vld [tilespmem:s20+$0x8000]  }
0x4f: {  	v12 =	vld [tilespmem:s19+$0x8000]  }
0x50: {  	s2 =	sadd.s32 $0x30, s2;
	s26 =	sadd.s32 $0x600, s26;
	s28 =	sadd.s32 $0xC0, s28;
	v13 =	vld [tilespmem:s11+$0x8000]  }
0x51: {  	s25 =	sadd.s32 $0xC, s25;
	v14 =	vld [tilespmem:s13+$0x0];
	s22 =	simm.s32 $0x10000;
	s1 =	sadd.s32 $0xFFFFFFFC, s2  }
0x52: {  	v15 =	vld [tilespmem:s13+$0x10];
	s3 =	sadd.s32 $0xFFFFFFF0, s28;
	s5 =	sadd.s32 $0xFFFFFF80, s26;
	p0 =	slt.u32 s25, $0x3F0  }
0x53: {  	v16 =	vld [tilespmem:s13+$0x20];
	s4 =	sadd.s32 $0xFFFFFA80, s26;
	s0 =	sadd.s32 $0xFFFFFF90, s28;
	s30 =	sadd.s32 $0xFFFFFC80, s26  }
0x54: {  	v18 =	vld [tilespmem:s13+$0x30];
	s9 =	sadd.s32 $0xFFFFFFA0, s28;
	s31 =	sadd.s32 $0xFFFFFD00, s26;
	s16 =	sadd.s32 $0xFFFFFFB0, s28  }
0x55: {  	v56 =	vld [tilespmem:s23+$0x0];
	s8 =	sadd.s32 $0xFFFFFD80, s26;
	s12 =	sadd.s32 $0xFFFFFFC0, s28;
	s14 =	sadd.s32 $0xFFFFFE00, s26  }
0x56: {  	v61 =	vld [tilespmem:s20+$0x0];
	s15 =	sadd.s32 $0xFFFFFFD0, s28;
	s17 =	sadd.s32 $0xFFFFFE80, s26;
	s13 =	sadd.s32 $0xFFFFFFE0, s28  }
0x57: {  	v62 =	vld [tilespmem:s19+$0x0];
	s18 =	sadd.s32 $0xFFFFFF00, s26;
	s20 =	sadd.s32 $0xFFFFFFD4, s2;
	s29 =	sadd.s32 $0xFFFFFFE4, s2  }
0x58: {  	v63 =	vld [tilespmem:s11+$0x0];
	s19 =	sadd.s32 $0xFFFFFFEC, s2;
	s11 =	sadd.s32 $0xFFFFFFF8, s2;
	s6 =	sand.u32 $0x7000, s3;
	v6 =	vmul.u32 $0x15, v6  }
0x59: {  	v57 =	vld [tilespmem:s10+$0x0];
	s5 =	sand.u32 $0xC00, s5;
	s1 =	sand.u32 $0x380, s1;
	[dreg:$0x5] =	wrdreg s0;
	v8 =	vmul.u32 $0x15, v8;
	v3 =	vadd.s32 v3, v14  }
0x5a: {  	v10 =	vld [tilespmem:s21+$0x8000];
	s3 =	sand.u32 $0x60, s3;
	[dreg:$0x7] =	wrdreg s9;
	s5 =	sor.u32 s5, s6;
	v7 =	vmul.u32 $0x15, v7;
	v3 =	vadd.s32 v1, v3;
	v6 =	vadd.s32 v6, v15  }
0x5b: {  	v59 =	vld [tilespmem:s7+$0x0];
	[dreg:$0x9] =	wrdreg s16;
	s4 =	sand.u32 $0xC00, s4;
	v5 =	vmul.u32 $0x15, v5;
	s1 =	sor.u32 s1, s5;
	v8 =	vadd.s32 v8, v16;
	v6 =	vadd.s32 v1, v6  }
0x5c: {  	v60 =	vld [tilespmem:s21+$0x0];
	s24 =	sand.u32 $0x7000, s9;
	s10 =	sand.u32 $0x7000, s16;
	v4 =	vmul.u32 $0x15, v4;
	s1 =	sor.u32 s3, s1;
	v7 =	vadd.s32 v7, v18;
	v8 =	vadd.s32 v1, v8  }
0x5d: {  	s8 =	sand.u32 $0xC00, s8;
	s7 =	sand.u32 $0x7000, s12;
	s14 =	sand.u32 $0xC00, s14;
	v17 =	vld [tilespmem:s1+$0x8000];
	v5 =	vadd.s32 v5, v56;
	v7 =	vadd.s32 v1, v7  }
0x5e: {  	s15 =	sand.u32 $0x7000, s15;
	s17 =	sand.u32 $0xC00, s17;
	s21 =	sand.u32 $0x7000, s13;
	v9 =	vmul.u32 $0x15, v9;
	v19 =	vld [tilespmem:s1+$0x0];
	v4 =	vadd.s32 v4, v57;
	v5 =	vadd.s32 v1, v5  }
0x5f: {  	s18 =	sand.u32 $0xC00, s18;
	s19 =	sand.u32 $0x380, s19;
	s6 =	sadd.s32 $0xFFFFFF50, s28;
	v12 =	vmul.u32 $0x15, v12;
	[tilespmem:v3+s22+$0x0] =	vst.idx.add.s32.msk $0xffff, v2;
	v3 =	vadd.s32 v1, v4  }
0x60: {  	s8 =	sor.u32 s8, s10;
	s23 =	sand.u32 $0x3000, s6;
	s5 =	sand.u32 $0xC00, s30;
	v4 =	vadd.s32 v9, v59;
	[tilespmem:v6+s22+$0x0] =	vst.idx.add.s32.msk $0xffff, v2  }
0x61: {  	s30 =	sadd.s32 $0xFFFFFFF0, s2;
	s8 =	sor.u32 s19, s8;
	s19 =	sand.u32 $0x40, s6;
	v9 =	vadd.s32 v12, v62;
	v4 =	vadd.s32 v1, v4;
	[tilespmem:v8+s22+$0x0] =	vst.idx.add.s32.msk $0xffff, v2  }
0x62: {  	v10 =	vmul.u32 $0x15, v10;
	s4 =	sor.u32 s4, s23;
	s23 =	sand.u32 $0x380, s20;
	s1 =	sand.u32 $0x7000, s0;
	[tilespmem:v7+s22+$0x0] =	vst.idx.add.s32.msk $0xffff, v2;
	v7 =	vadd.s32 v1, v9  }
0x63: {  	v11 =	vmul.u32 $0x15, v11;
	s3 =	sand.u32 $0xC00, s31;
	s4 =	sor.u32 s23, s4;
	s5 =	sor.u32 s5, s1;
	[tilespmem:v5+s22+$0x0] =	vst.idx.add.s32.msk $0xffff, v2  }
0x64: {  	v13 =	vmul.u32 $0x15, v13;
	s1 =	sand.u32 $0x380, s30;
	s30 =	sand.u32 $0x50, s13;
	s13 =	sor.u32 s19, s4;
	v6 =	vadd.s32 v10, v60;
	[tilespmem:v3+s22+$0x0] =	vst.idx.add.s32.msk $0xffff, v2  }
0x65: {  	s16 =	sadd.s32 $0xFFFFFFF4, s2;
	s31 =	sadd.s32 $0xFFFFFFE8, s2;
	s3 =	sor.u32 s3, s24;
	v8 =	vadd.s32 v11, v61;
	v6 =	vadd.s32 v1, v6;
	v3 =	vld [tilespmem:s13+$0x8000]  }
0x66: {  	s24 =	sand.u32 $0x380, s29;
	s31 =	sand.u32 $0x380, s31;
	s23 =	rddreg [dreg:$0x7];
	v9 =	vadd.s32 v13, v63;
	v8 =	vadd.s32 v1, v8;
	[tilespmem:v4+s22+$0x0] =	vst.idx.add.s32.msk $0xffff, v2  }
0x67: {  	s3 =	sor.u32 s31, s3;
	s5 =	sor.u32 s24, s5;
	s24 =	sand.u32 $0x50, s23;
	v5 =	vadd.s32 v1, v9;
	[tilespmem:v7+s22+$0x0] =	vst.idx.add.s32.msk $0xffff, v2  }
0x68: {  	s9 =	sand.u32 $0xC00, s26;
	s11 =	sand.u32 $0x380, s11;
	s10 =	sor.u32 s24, s3;
	v58 =	vmul.u32 $0x15, v17;
	v7 =	vld [tilespmem:s13+$0x8030]  }
0x69: {  	s12 =	sand.u32 $0x70, s12;
	s7 =	sor.u32 s14, s7;
	s17 =	sor.u32 s15, s17;
	v4 =	vld [tilespmem:s10+$0x8000]  }
0x6a: {  	s16 =	sand.u32 $0x380, s16;
	s14 =	sand.u32 $0x380, s2;
	s20 =	rddreg [dreg:$0x5];
	v16 =	vadd.s32 v58, v19;
	[tilespmem:v6+s22+$0x0] =	vst.idx.add.s32.msk $0xffff, v2  }
0x6b: {  	s0 =	sand.u32 $0x7000, s28;
	s29 =	sor.u32 s18, s21;
	s18 =	sor.u32 s16, s17;
	v16 =	vadd.s32 v1, v16;
	[tilespmem:v8+s22+$0x0] =	vst.idx.add.s32.msk $0xffff, v2  }
.Ltmp1:
0x6c: {  	s21 =	sand.u32 $0x40, s20;
	s0 =	sor.u32 s9, s0;
	[tilespmem:v5+s22+$0x0] =	vst.idx.add.s32.msk $0xffff, v2;
	(pc) =	sbr.rel @p0 .LBB2_5-.Ltmp1, $4  }
0x6d: {  	s11 =	sor.u32 s11, s29;
	s29 =	rddreg [dreg:$0x9];
	s31 =	sand.u32 $0x70, s28;
	v6 =	vld [tilespmem:s13+$0x8010]  }
0x6e: {  	s20 =	sor.u32 s19, s18;
	s15 =	sor.u32 s1, s7;
	s23 =	sor.u32 s21, s5;
	v8 =	vld [tilespmem:s13+$0x8020]  }
0x6f: {  	s0 =	sor.u32 s14, s0;
	s6 =	sand.u32 $0x60, s29;
	s19 =	sor.u32 s30, s11;
	v5 =	vld [tilespmem:s23+$0x8000]  }
0x70: {  	s7 =	sor.u32 s6, s8;
	s21 =	sor.u32 s12, s15;
	s11 =	sor.u32 s31, s0;
	[tilespmem:v16+s22+$0x0] =	vst.idx.add.s32.msk $0xffff, v2;
	v3 =	vmul.u32 $0x15, v3  }
0x71: {  	v9 =	vld [tilespmem:s7+$0x8000]  }
0x72: {  	v10 =	vld [tilespmem:s21+$0x8000]  }
0x73: {  	v12 =	vld [tilespmem:s19+$0x8000]  }
0x74: {  	v13 =	vld [tilespmem:s11+$0x8000]  }
0x75: {  	v14 =	vld [tilespmem:s13+$0x0]  }
0x76: {  	v15 =	vld [tilespmem:s13+$0x10]  }
0x77: {  	v16 =	vld [tilespmem:s13+$0x20]  }
0x78: {  	v17 =	vld [tilespmem:s13+$0x30]  }
0x79: {  	v18 =	vld [tilespmem:s23+$0x0]  }
0x7a: {  	v7 =	vmul.u32 $0x15, v7;
	v51 =	vld [tilespmem:s7+$0x0];
	v6 =	vmul.u32 $0x15, v6  }
0x7b: {  	v4 =	vmul.u32 $0x15, v4;
	v54 =	vld [tilespmem:s19+$0x0];
	v8 =	vmul.u32 $0x15, v8;
	v3 =	vadd.s32 v3, v14  }
0x7c: {  	v55 =	vld [tilespmem:s11+$0x0];
	v5 =	vmul.u32 $0x15, v5;
	v6 =	vadd.s32 v6, v15;
	v3 =	vadd.s32 v1, v3  }
0x7d: {  	v50 =	vld [tilespmem:s10+$0x0];
	v8 =	vadd.s32 v8, v16;
	v7 =	vadd.s32 v7, v17;
	v6 =	vadd.s32 v1, v6  }
0x7e: {  	v11 =	vld [tilespmem:s20+$0x8000];
	v9 =	vmul.u32 $0x15, v9;
	v57 =	vmul.u32 $0x15, v12;
	v8 =	vadd.s32 v1, v8  }
0x7f: {  	v52 =	vld [tilespmem:s21+$0x0];
	v5 =	vadd.s32 v5, v18;
	v59 =	vmul.u32 $0x15, v13;
	v7 =	vadd.s32 v1, v7  }
0x80: {  	v53 =	vld [tilespmem:s20+$0x0];
	s0 =	simm.s32 $0x10000;
	v5 =	vadd.s32 v1, v5;
	v56 =	vadd.s32 v9, v51;
	v9 =	vadd.s32 v57, v54  }
0x81: {  	v62 =	vadd.s32 v59, v55;
	v61 =	vadd.s32 v1, v9;
	[tilespmem:v3+s0+$0x0] =	vst.idx.add.s32.msk $0xffff, v2  }
0x82: {  	v10 =	vmul.u32 $0x15, v10;
	v4 =	vadd.s32 v4, v50;
	v63 =	vadd.s32 v1, v62;
	[tilespmem:v6+s0+$0x0] =	vst.idx.add.s32.msk $0xffff, v2  }
0x83: {  	v11 =	vmul.u32 $0x15, v11;
	v3 =	vadd.s32 v1, v4;
	[tilespmem:v8+s0+$0x0] =	vst.idx.add.s32.msk $0xffff, v2  }
0x84: {  	v58 =	vadd.s32 v10, v52;
	v4 =	vadd.s32 v1, v56;
	[tilespmem:v7+s0+$0x0] =	vst.idx.add.s32.msk $0xffff, v2  }
0x85: {  	v60 =	vadd.s32 v11, v53;
	v6 =	vadd.s32 v1, v58;
	[tilespmem:v5+s0+$0x0] =	vst.idx.add.s32.msk $0xffff, v2  }
0x86: {  	v8 =	vadd.s32 v1, v60;
	[tilespmem:v61+s0+$0x0] =	vst.idx.add.s32.msk $0xffff, v2  }
0x87: {  	[tilespmem:v63+s0+$0x0] =	vst.idx.add.s32.msk $0xffff, v2  }
0x88: {  	[tilespmem:v3+s0+$0x0] =	vst.idx.add.s32.msk $0xffff, v2  }
0x89: {  	[tilespmem:v4+s0+$0x0] =	vst.idx.add.s32.msk $0xffff, v2  }
0x8a: {  	s2 =	simm.s32 $0x10000;
	[tilespmem:v6+s0+$0x0] =	vst.idx.add.s32.msk $0xffff, v2  }
0x8b: {  	s3 =	simm.s32 $0x1FE00;
	s4 =	simm.s32 $0x3FC0;
	s5 =	simm.s32 $0xFF0;
	[tilespmem:v8+s0+$0x0] =	vst.idx.add.s32.msk $0xffff, v2  }
.LBB2_7:
0x8c: {  	s0 =	sand.u32 $0xFFFFF000, s4;
	s1 =	sand.u32 $0xC00, s3  }
0x8d: {  	s31 =	sand.u32 $0x380, s5;
	s0 =	sor.u32 s1, s0  }
0x8e: {  	s0 =	sor.u32 s31, s0  }
0x8f: {  	s0 =	sadd.s32 s0, s4  }
0x90: {  	v3 =	vld [tilespmem:s0+$0x4080];
	_ =	sdelay $0x1  }
0x91: {  	v4 =	vld [tilespmem:s0+$0xFFFFC080];
	_ =	sdelay $0x2  }
0x92: {  	v3 =	vmul.u32 $0x15, v3;
	_ =	sdelay $0x1  }
0x93: {  	v3 =	vadd.s32 v3, v4  }
0x94: {  	p0 =	sne.s32 s4, $0x3FF0;
	v3 =	vadd.s32 v1, v3  }
.Ltmp2:
0x95: {  	_ = 	snop;
	(pc) =	sbr.rel @p0 .LBB2_7-.Ltmp2, $2  }
0x96: {  	_ =	sdelay $0x2  }
0x97: {  	s5 =	sadd.s32 $0x4, s5;
	s3 =	sadd.s32 $0x80, s3;
	s4 =	sadd.s32 $0x10, s4;
	[tilespmem:v3+s2+$0x0] =	vst.idx.add.s32.msk $0xffff, v2  }
0x98: {  	s0 =	rddreg [dreg:$0x11]  }
0x99: {  	s1 =	rddreg [dreg:$0x12];
	s21 =	simm.s32 $0x2  }
0x9a: {  	s22 =	simm.s32 $0x4;
	s25 =	simm.s32 $0x2C;
	s26 =	simm.s32 $0x580  }
0x9b: {  	s28 =	simm.s32 $0xB0;
	s23 =	simm.s32 $0x28;
	s24 =	simm.s32 $0xA0  }
0x9c: {  	s29 =	simm.s32 $0x500;
	s4 =	simm.s32 $0x0;
	s5 =	simm.s32 $0x200  }
0x9d: {  	s17 =	simm.s32 $0x10000;
	s8 =	simm.s32 $0x280;
	s6 =	simm.s32 $0x60  }
0x9e: {  	s9 =	simm.s32 $0x300;
	p0 =	seq.s32 s0, $0x7;
	s0 =	rddreg [dreg:$0xd]  }
0x9f: {  	s7 =	simm.s32 $0x70;
	s10 =	simm.s32 $0x380;
	s0 =	sadd.s32 @!p0 s1, s0  }
0xa0: {  	s11 =	simm.s32 $0x80;
	s1 =	rddreg [dreg:$0x0];
	s0 =	sshll.u32 @!p0 s0, $0x6  }
0xa1: {  	s12 =	simm.s32 $0x400;
	s2 =	simm.s32 @!p0 $0x0;
	s1 =	sadd.s32 @!p0 s1, s0  }
0xa2: {  	[tilespmem:s2], [sflag:$0x1] =	stream.linear.gather @!p0 [hbm4b:s1+s2], $0x4000, $0x38;
	[tilespmem:$0x12200] =	vst v63  }
0xa3: {  	s13 =	simm.s32 $0x480;
	s14 =	simm.s32 $0x0;
	s1 =	rddreg [dreg:$0x1]  }
0xa4: {  	s3 =	sand.u32 $0x7000, s24;
	s0 =	sadd.s32 @!p0 s1, s0;
	s1 =	simm.s32 @!p0 $0x8000  }
0xa5: {  	[tilespmem:s1], [sflag:$0x3] =	stream.linear.gather @!p0 [hbm4b:s0+s2], $0x4000, $0x38;
	[tilespmem:$0x12200] =	vst v63  }
0xa6: {  	s4 =	sand.u32 $0xC00, s4;
	s16 =	sand.u32 $0x3000, s14;
	_ =	swait.ge [sflag:s21], $0x4000  }
0xa7: {  	s5 =	sand.u32 $0xC00, s5;
	s8 =	sand.u32 $0xC00, s8;
	[sflag:s21] =	ssyncset.done $0x0  }
0xa8: {  	s31 =	sand.u32 $0x7000, s6;
	s2 =	sand.u32 $0xC00, s29;
	[sflag:s21] =	ssyncadd.s32 $0xFFFFC000  }
0xa9: {  	s0 =	sand.u32 $0x380, s23;
	s3 =	sor.u32 s2, s3;
	_ =	swait.ge [sflag:s22], $0x4000  }
0xaa: {  	s1 =	sand.u32 $0x60, s24;
	s3 =	sor.u32 s0, s3;
	[sflag:s22] =	ssyncset.done $0x0  }
0xab: {  	s18 =	sand.u32 $0xC00, s9;
	s3 =	sor.u32 s1, s3;
	[sflag:s22] =	ssyncadd.s32 $0xFFFFC000  }
0xac: {  	s19 =	sand.u32 $0x7000, s7;
	s10 =	sand.u32 $0xC00, s10;
	s11 =	sand.u32 $0x7000, s11;
	v3 =	vld [tilespmem:s3+$0xC000]  }
0xad: {  	s12 =	sand.u32 $0xC00, s12;
	s13 =	sand.u32 $0xC00, s13;
	s14 =	sand.u32 $0x40, s14  }
0xae: {  	s4 =	sor.u32 s4, s16;
	s9 =	sor.u32 s10, s19;
	s11 =	sor.u32 s12, s11;
	v4 =	vld [tilespmem:s3+$0x4000]  }
0xaf: {  	s16 =	simm.s32 $0x20;
	s23 =	sand.u32 $0xC00, s26;
	s24 =	simm.s32 $0x10  }
0xb0: {  	s29 =	simm.s32 $0x14;
	s2 =	simm.s32 $0x40;
	s0 =	simm.s32 $0x50  }
0xb1: {  	s15 =	sand.u32 $0x7000, s2;
	s2 =	sand.u32 $0x40, s2;
	s1 =	simm.s32 $0x90;
	v3 =	vmul.u32 $0x15, v3  }
0xb2: {  	s30 =	sand.u32 $0x7000, s0;
	s5 =	sor.u32 s5, s15;
	s21 =	simm.s32 $0x0  }
0xb3: {  	s15 =	sand.u32 $0x380, s24;
	s0 =	sand.u32 $0x50, s0;
	s24 =	sand.u32 $0x60, s6;
	v3 =	vadd.s32 v3, v4  }
0xb4: {  	s8 =	sor.u32 s8, s30;
	s20 =	sand.u32 $0x7000, s1;
	s10 =	sand.u32 $0x380, s21;
	v3 =	vadd.s32 v1, v3  }
0xb5: {  	s5 =	sor.u32 s15, s5;
	s30 =	simm.s32 $0x18;
	s13 =	sor.u32 s13, s20  }
0xb6: {  	s4 =	sor.u32 s10, s4;
	s10 =	sand.u32 $0x380, s29;
	s15 =	sand.u32 $0x380, s30  }
0xb7: {  	s21 =	sor.u32 s2, s5;
	s29 =	sand.u32 $0x70, s7;
	s30 =	sand.u32 $0x50, s1  }
0xb8: {  	s2 =	simm.s32 $0x0;
	s22 =	sand.u32 $0x7000, s28;
	s8 =	sor.u32 s10, s8  }
0xb9: {  	s3 =	sor.u32 s18, s31;
	s12 =	sor.u32 s23, s22;
	s23 =	sor.u32 s14, s4;
	[tilespmem:v3+s17+$0x0] =	vst.idx.add.s32.msk $0xffff, v2  }
0xba: {  	s31 =	simm.s32 $0x1C;
	s18 =	simm.s32 $0x24;
	s22 =	sand.u32 $0x380, s25;
	v3 =	vld [tilespmem:s23+$0xC000]  }
0xbb: {  	v5 =	vld [tilespmem:s21+$0xC000];
	s3 =	sor.u32 s15, s3;
	s10 =	sand.u32 $0x380, s31;
	s15 =	sand.u32 $0x380, s16  }
0xbc: {  	s12 =	sor.u32 s22, s12;
	v6 =	vld [tilespmem:s23+$0xC010];
	s22 =	sor.u32 s0, s8;
	s31 =	sand.u32 $0x70, s28  }
0xbd: {  	v8 =	vld [tilespmem:s23+$0xC020];
	s9 =	sor.u32 s10, s9;
	s10 =	sand.u32 $0x380, s18;
	s19 =	sor.u32 s15, s11  }
0xbe: {  	v7 =	vld [tilespmem:s23+$0xC030];
	s7 =	sor.u32 s24, s3;
	s0 =	sor.u32 s31, s12;
	s10 =	sor.u32 s10, s13  }
0xbf: {  	s20 =	sor.u32 s29, s9;
	s19 =	sor.u32 s14, s19;
	s11 =	sor.u32 s30, s10;
	v4 =	vld [tilespmem:s22+$0xC000];
	v3 =	vmul.u32 $0x15, v3  }
.LBB2_9:
0xc0: {  	v9 =	vld [tilespmem:s7+$0xC000]  }
0xc1: {  	v11 =	vld [tilespmem:s19+$0xC000]  }
0xc2: {  	v12 =	vld [tilespmem:s11+$0xC000]  }
0xc3: {  	s25 =	sadd.s32 $0x30, s25;
	s26 =	sadd.s32 $0x600, s26;
	s28 =	sadd.s32 $0xC0, s28;
	v13 =	vld [tilespmem:s0+$0xC000]  }
0xc4: {  	s2 =	sadd.s32 $0xC, s2;
	v14 =	vld [tilespmem:s23+$0x4000];
	s1 =	sadd.s32 $0xFFFFFFFC, s25;
	s3 =	sadd.s32 $0xFFFFFFF0, s28  }
0xc5: {  	v15 =	vld [tilespmem:s23+$0x4010];
	s4 =	sadd.s32 $0xFFFFFF80, s26;
	[dreg:$0x4] =	wrdreg s2;
	p0 =	slt.u32 s2, $0x3F0  }
0xc6: {  	v16 =	vld [tilespmem:s23+$0x4020];
	s8 =	sadd.s32 $0xFFFFFA80, s26;
	s24 =	sadd.s32 $0xFFFFFF90, s28;
	s29 =	sadd.s32 $0xFFFFFC80, s26  }
0xc7: {  	v18 =	vld [tilespmem:s23+$0x4030];
	s9 =	sadd.s32 $0xFFFFFFA0, s28;
	s30 =	sadd.s32 $0xFFFFFD00, s26;
	s10 =	sadd.s32 $0xFFFFFFB0, s28  }
0xc8: {  	v56 =	vld [tilespmem:s21+$0x4000];
	s31 =	sadd.s32 $0xFFFFFD80, s26;
	s12 =	sadd.s32 $0xFFFFFFC0, s28;
	s14 =	sadd.s32 $0xFFFFFE00, s26  }
0xc9: {  	v61 =	vld [tilespmem:s19+$0x4000];
	s15 =	sadd.s32 $0xFFFFFFD0, s28;
	s16 =	sadd.s32 $0xFFFFFE80, s26;
	s13 =	sadd.s32 $0xFFFFFFE0, s28  }
0xca: {  	v62 =	vld [tilespmem:s11+$0x4000];
	s17 =	sadd.s32 $0xFFFFFF00, s26;
	s6 =	sadd.s32 $0xFFFFFF50, s28;
	s19 =	sadd.s32 $0xFFFFFFD4, s25  }
0xcb: {  	v63 =	vld [tilespmem:s0+$0x4000];
	s11 =	sadd.s32 $0xFFFFFFEC, s25;
	s0 =	sadd.s32 $0xFFFFFFF8, s25;
	s2 =	sand.u32 $0xC00, s26;
	v6 =	vmul.u32 $0x15, v6  }
0xcc: {  	v57 =	vld [tilespmem:s22+$0x4000];
	s5 =	sand.u32 $0x7000, s3;
	s4 =	sand.u32 $0xC00, s4;
	s1 =	sand.u32 $0x380, s1;
	v8 =	vmul.u32 $0x15, v8;
	v3 =	vadd.s32 v3, v14  }
0xcd: {  	v10 =	vld [tilespmem:s20+$0xC000];
	[dreg:$0x6] =	wrdreg s24;
	s3 =	sand.u32 $0x60, s3;
	s4 =	sor.u32 s4, s5;
	v7 =	vmul.u32 $0x15, v7;
	v3 =	vadd.s32 v1, v3;
	v6 =	vadd.s32 v6, v15  }
0xce: {  	v59 =	vld [tilespmem:s7+$0x4000];
	[dreg:$0x8] =	wrdreg s9;
	s8 =	sand.u32 $0xC00, s8;
	v5 =	vmul.u32 $0x15, v5;
	s1 =	sor.u32 s1, s4;
	v8 =	vadd.s32 v8, v16;
	v6 =	vadd.s32 v1, v6  }
0xcf: {  	v60 =	vld [tilespmem:s20+$0x4000];
	s18 =	sand.u32 $0x7000, s24;
	s21 =	sand.u32 $0x3000, s6;
	v4 =	vmul.u32 $0x15, v4;
	s1 =	sor.u32 s3, s1;
	v7 =	vadd.s32 v7, v18;
	v8 =	vadd.s32 v1, v8  }
0xd0: {  	s23 =	sand.u32 $0x7000, s9;
	s22 =	sand.u32 $0x7000, s10;
	s7 =	sand.u32 $0x7000, s12;
	v17 =	vld [tilespmem:s1+$0xC000];
	v5 =	vadd.s32 v5, v56;
	v7 =	vadd.s32 v1, v7  }
0xd1: {  	s14 =	sand.u32 $0xC00, s14;
	s15 =	sand.u32 $0x7000, s15;
	s9 =	simm.s32 $0x10000;
	v9 =	vmul.u32 $0x15, v9;
	v19 =	vld [tilespmem:s1+$0x4000];
	v4 =	vadd.s32 v4, v57;
	v5 =	vadd.s32 v1, v5  }
0xd2: {  	s16 =	sand.u32 $0xC00, s16;
	s20 =	sand.u32 $0x7000, s13;
	s6 =	sand.u32 $0x40, s6;
	v12 =	vmul.u32 $0x15, v12;
	[tilespmem:v3+s9+$0x0] =	vst.idx.add.s32.msk $0xffff, v2;
	v3 =	vadd.s32 v1, v4  }
0xd3: {  	s5 =	sand.u32 $0xC00, s31;
	s8 =	sor.u32 s8, s21;
	s7 =	sor.u32 s14, s7;
	v4 =	vadd.s32 v9, v59;
	[tilespmem:v6+s9+$0x0] =	vst.idx.add.s32.msk $0xffff, v2  }
0xd4: {  	s14 =	sor.u32 s16, s15;
	s16 =	sand.u32 $0x380, s19;
	s5 =	sor.u32 s5, s22;
	v9 =	vadd.s32 v12, v62;
	v4 =	vadd.s32 v1, v4;
	[tilespmem:v8+s9+$0x0] =	vst.idx.add.s32.msk $0xffff, v2  }
0xd5: {  	s22 =	sor.u32 s16, s8;
	v10 =	vmul.u32 $0x15, v10;
	s3 =	sand.u32 $0xC00, s30;
	s1 =	sand.u32 $0x7000, s28;
	[tilespmem:v7+s9+$0x0] =	vst.idx.add.s32.msk $0xffff, v2;
	v7 =	vadd.s32 v1, v9  }
0xd6: {  	v11 =	vmul.u32 $0x15, v11;
	s3 =	sor.u32 s3, s23;
	s23 =	sand.u32 $0x380, s25;
	s1 =	sor.u32 s2, s1;
	[tilespmem:v5+s9+$0x0] =	vst.idx.add.s32.msk $0xffff, v2  }
0xd7: {  	s17 =	sand.u32 $0xC00, s17;
	v13 =	vmul.u32 $0x15, v13;
	s1 =	sor.u32 s23, s1;
	s23 =	sor.u32 s6, s22;
	v6 =	vadd.s32 v10, v60;
	[tilespmem:v3+s9+$0x0] =	vst.idx.add.s32.msk $0xffff, v2  }
0xd8: {  	s4 =	sand.u32 $0xC00, s29;
	s29 =	sadd.s32 $0xFFFFFFE8, s25;
	s30 =	sadd.s32 $0xFFFFFFF4, s25;
	v8 =	vadd.s32 v11, v61;
	v6 =	vadd.s32 v1, v6;
	v3 =	vld [tilespmem:s23+$0xC000]  }
0xd9: {  	s19 =	sand.u32 $0x380, s29;
	s21 =	sand.u32 $0x380, s30;
	s30 =	rddreg [dreg:$0x8];
	v9 =	vadd.s32 v13, v63;
	v8 =	vadd.s32 v1, v8;
	[tilespmem:v4+s9+$0x0] =	vst.idx.add.s32.msk $0xffff, v2  }
0xda: {  	s24 =	sadd.s32 $0xFFFFFFE4, s25;
	s3 =	sor.u32 s19, s3;
	s8 =	sand.u32 $0x50, s30;
	v5 =	vadd.s32 v1, v9;
	[tilespmem:v7+s9+$0x0] =	vst.idx.add.s32.msk $0xffff, v2  }
0xdb: {  	s11 =	sand.u32 $0x380, s11;
	s0 =	sand.u32 $0x380, s0;
	s22 =	sor.u32 s8, s3;
	v58 =	vmul.u32 $0x15, v17;
	v7 =	vld [tilespmem:s23+$0xC030]  }
0xdc: {  	s10 =	sand.u32 $0x60, s10;
	s12 =	sand.u32 $0x70, s12;
	s31 =	sadd.s32 $0xFFFFFFF0, s25;
	v4 =	vld [tilespmem:s22+$0xC000]  }
0xdd: {  	s13 =	sand.u32 $0x50, s13;
	s17 =	sor.u32 s17, s20;
	s20 =	sand.u32 $0x380, s31;
	v16 =	vadd.s32 v58, v19;
	[tilespmem:v6+s9+$0x0] =	vst.idx.add.s32.msk $0xffff, v2  }
0xde: {  	s0 =	sor.u32 s0, s17;
	s31 =	sand.u32 $0x70, s28;
	s4 =	sor.u32 s4, s18;
	v16 =	vadd.s32 v1, v16;
	[tilespmem:v8+s9+$0x0] =	vst.idx.add.s32.msk $0xffff, v2  }
.Ltmp3:
0xdf: {  	s18 =	sand.u32 $0x380, s24;
	s29 =	rddreg [dreg:$0x6];
	[tilespmem:v5+s9+$0x0] =	vst.idx.add.s32.msk $0xffff, v2;
	(pc) =	sbr.rel @p0 .LBB2_9-.Ltmp3, $4  }
0xe0: {  	s24 =	sor.u32 s20, s7;
	s4 =	sor.u32 s18, s4;
	s7 =	sand.u32 $0x40, s29;
	v6 =	vld [tilespmem:s23+$0xC010]  }
0xe1: {  	s5 =	sor.u32 s11, s5;
	s14 =	sor.u32 s21, s14;
	s21 =	sor.u32 s7, s4;
	v8 =	vld [tilespmem:s23+$0xC020]  }
0xe2: {  	s11 =	sor.u32 s13, s0;
	s20 =	sor.u32 s12, s24;
	s7 =	sor.u32 s10, s5;
	v5 =	vld [tilespmem:s21+$0xC000]  }
0xe3: {  	s2 =	rddreg [dreg:$0x4];
	s19 =	sor.u32 s6, s14;
	s0 =	sor.u32 s31, s1;
	[tilespmem:v16+s9+$0x0] =	vst.idx.add.s32.msk $0xffff, v2;
	v3 =	vmul.u32 $0x15, v3  }
0xe4: {  	v9 =	vld [tilespmem:s7+$0xC000]  }
0xe5: {  	v10 =	vld [tilespmem:s20+$0xC000]  }
0xe6: {  	v12 =	vld [tilespmem:s11+$0xC000]  }
0xe7: {  	v13 =	vld [tilespmem:s0+$0xC000]  }
0xe8: {  	v14 =	vld [tilespmem:s23+$0x4000]  }
0xe9: {  	v15 =	vld [tilespmem:s23+$0x4010]  }
0xea: {  	v16 =	vld [tilespmem:s23+$0x4020]  }
0xeb: {  	v17 =	vld [tilespmem:s23+$0x4030]  }
0xec: {  	v18 =	vld [tilespmem:s21+$0x4000]  }
0xed: {  	v7 =	vmul.u32 $0x15, v7;
	v51 =	vld [tilespmem:s7+$0x4000];
	v6 =	vmul.u32 $0x15, v6  }
0xee: {  	v4 =	vmul.u32 $0x15, v4;
	v54 =	vld [tilespmem:s11+$0x4000];
	v8 =	vmul.u32 $0x15, v8;
	v3 =	vadd.s32 v3, v14  }
0xef: {  	v55 =	vld [tilespmem:s0+$0x4000];
	v5 =	vmul.u32 $0x15, v5;
	v6 =	vadd.s32 v6, v15;
	v3 =	vadd.s32 v1, v3  }
0xf0: {  	v50 =	vld [tilespmem:s22+$0x4000];
	v8 =	vadd.s32 v8, v16;
	v7 =	vadd.s32 v7, v17;
	v6 =	vadd.s32 v1, v6  }
0xf1: {  	v11 =	vld [tilespmem:s19+$0xC000];
	v9 =	vmul.u32 $0x15, v9;
	v57 =	vmul.u32 $0x15, v12;
	v8 =	vadd.s32 v1, v8  }
0xf2: {  	v52 =	vld [tilespmem:s20+$0x4000];
	v5 =	vadd.s32 v5, v18;
	v59 =	vmul.u32 $0x15, v13;
	v7 =	vadd.s32 v1, v7  }
0xf3: {  	v53 =	vld [tilespmem:s19+$0x4000];
	s31 =	simm.s32 $0x10000;
	v5 =	vadd.s32 v1, v5;
	v56 =	vadd.s32 v9, v51;
	v9 =	vadd.s32 v57, v54  }
0xf4: {  	v62 =	vadd.s32 v59, v55;
	v61 =	vadd.s32 v1, v9;
	[tilespmem:v3+s31+$0x0] =	vst.idx.add.s32.msk $0xffff, v2  }
0xf5: {  	v10 =	vmul.u32 $0x15, v10;
	v4 =	vadd.s32 v4, v50;
	v63 =	vadd.s32 v1, v62;
	[tilespmem:v6+s31+$0x0] =	vst.idx.add.s32.msk $0xffff, v2  }
0xf6: {  	v11 =	vmul.u32 $0x15, v11;
	v3 =	vadd.s32 v1, v4;
	[tilespmem:v8+s31+$0x0] =	vst.idx.add.s32.msk $0xffff, v2  }
0xf7: {  	v58 =	vadd.s32 v10, v52;
	v4 =	vadd.s32 v1, v56;
	[tilespmem:v7+s31+$0x0] =	vst.idx.add.s32.msk $0xffff, v2  }
0xf8: {  	v60 =	vadd.s32 v11, v53;
	v6 =	vadd.s32 v1, v58;
	[tilespmem:v5+s31+$0x0] =	vst.idx.add.s32.msk $0xffff, v2  }
0xf9: {  	v8 =	vadd.s32 v1, v60;
	[tilespmem:v61+s31+$0x0] =	vst.idx.add.s32.msk $0xffff, v2  }
0xfa: {  	[tilespmem:v63+s31+$0x0] =	vst.idx.add.s32.msk $0xffff, v2  }
0xfb: {  	[tilespmem:v3+s31+$0x0] =	vst.idx.add.s32.msk $0xffff, v2  }
0xfc: {  	[tilespmem:v4+s31+$0x0] =	vst.idx.add.s32.msk $0xffff, v2  }
0xfd: {  	s4 =	simm.s32 $0x10000;
	[tilespmem:v6+s31+$0x0] =	vst.idx.add.s32.msk $0xffff, v2  }
0xfe: {  	s2 =	simm.s32 $0x1FE00;
	s3 =	simm.s32 $0x3FC0;
	s5 =	simm.s32 $0xFF0;
	[tilespmem:v8+s31+$0x0] =	vst.idx.add.s32.msk $0xffff, v2  }
.LBB2_11:
0xff: {  	s0 =	sand.u32 $0xFFFFF000, s3;
	s1 =	sand.u32 $0xC00, s2  }
0x100: {  	s31 =	sand.u32 $0x380, s5;
	s0 =	sor.u32 s1, s0  }
0x101: {  	s0 =	sor.u32 s31, s0  }
0x102: {  	s0 =	sadd.s32 s3, s0  }
0x103: {  	v3 =	vld [tilespmem:s0+$0x8080];
	_ =	sdelay $0x1  }
0x104: {  	v4 =	vld [tilespmem:s0+$0x80];
	_ =	sdelay $0x2  }
0x105: {  	v3 =	vmul.u32 $0x15, v3;
	_ =	sdelay $0x1  }
0x106: {  	v3 =	vadd.s32 v3, v4  }
0x107: {  	p0 =	sne.s32 s3, $0x3FF0;
	v3 =	vadd.s32 v1, v3  }
.Ltmp4:
0x108: {  	_ = 	snop;
	(pc) =	sbr.rel @p0 .LBB2_11-.Ltmp4, $2  }
0x109: {  	_ =	sdelay $0x2  }
0x10a: {  	s5 =	sadd.s32 $0x4, s5;
	s2 =	sadd.s32 $0x80, s2;
	s3 =	sadd.s32 $0x10, s3;
	[tilespmem:v3+s4+$0x0] =	vst.idx.add.s32.msk $0xffff, v2  }
0x10b: {  	s2 =	rddreg [dreg:$0x11]  }
0x10c: {  	s2 =	sadd.s32 $0x1, s2  }
0x10d: {  	p0 =	sne.s32 s2, $0x8  }
.Ltmp5:
0x10e: {  	_ = 	snop;
	(pc) =	sbr.rel @p0 .LBB2_4-.Ltmp5, $1  }
0x10f: {  	_ =	sdelay $0x3  }
0x110: {  	s1 =	simm.s32 $0x11010;
	s0 =	simm.s32 $0x0  }
0x111: {  	v3 =	vld [tilespmem:s1+$0xFFFFEFF0];
	s0 =	sand.u32 $0x1E0, s0  }
0x112: {  	v4 =	vld [tilespmem:s0+$0x10200]  }
0x113: {  	v5 =	vld [tilespmem:s0+$0x10400]  }
0x114: {  	v6 =	vld [tilespmem:s0+$0x10600]  }
0x115: {  	v7 =	vld [tilespmem:s0+$0x10800]  }
0x116: {  	v8 =	vld [tilespmem:s0+$0x10A00]  }
0x117: {  	v9 =	vld [tilespmem:s0+$0x10C00]  }
0x118: {  	v10 =	vld [tilespmem:s0+$0x10E00]  }
0x119: {  	v11 =	vld [tilespmem:s0+$0x11000]  }
0x11a: {  	v12 =	vld [tilespmem:s0+$0x11200]  }
0x11b: {  	v13 =	vld [tilespmem:s0+$0x11400]  }
0x11c: {  	v14 =	vld [tilespmem:s0+$0x11600]  }
0x11d: {  	v15 =	vld [tilespmem:s0+$0x11800]  }
0x11e: {  	v16 =	vld [tilespmem:s0+$0x11A00]  }
0x11f: {  	v17 =	vld [tilespmem:s0+$0x11C00]  }
0x120: {  	v18 =	vld [tilespmem:s0+$0x11E00]  }
0x121: {  	v3 =	vadd.s32 v3, v4;
	v4 =	vld [tilespmem:s1+$0xFFFFF000]  }
0x122: {  	v3 =	vadd.s32 v5, v3;
	v5 =	vld [tilespmem:s1+$0xFFFFF200]  }
0x123: {  	v3 =	vadd.s32 v6, v3;
	v6 =	vld [tilespmem:s1+$0xFFFFF400]  }
0x124: {  	v3 =	vadd.s32 v7, v3;
	v7 =	vld [tilespmem:s1+$0xFFFFF600]  }
0x125: {  	v3 =	vadd.s32 v8, v3;
	v8 =	vld [tilespmem:s1+$0xFFFFF800]  }
0x126: {  	v3 =	vadd.s32 v9, v3;
	v9 =	vld [tilespmem:s1+$0xFFFFFA00]  }
0x127: {  	v3 =	vadd.s32 v10, v3;
	v4 =	vadd.s32 v4, v5;
	v5 =	vld [tilespmem:s1+$0xFFFFFC00]  }
0x128: {  	v3 =	vadd.s32 v11, v3;
	v4 =	vadd.s32 v6, v4;
	v6 =	vld [tilespmem:s1+$0xFFFFFE00]  }
0x129: {  	v3 =	vadd.s32 v12, v3;
	v4 =	vadd.s32 v7, v4;
	v7 =	vld [tilespmem:s1+$0x0]  }
0x12a: {  	v3 =	vadd.s32 v13, v3;
	v4 =	vadd.s32 v8, v4;
	v8 =	vld [tilespmem:s1+$0x200]  }
0x12b: {  	v3 =	vadd.s32 v14, v3;
	v4 =	vadd.s32 v9, v4;
	v9 =	vld [tilespmem:s1+$0x400]  }
0x12c: {  	v10 =	vadd.s32 v15, v3;
	v4 =	vadd.s32 v5, v4;
	v3 =	vld [tilespmem:s1+$0x600]  }
0x12d: {  	v5 =	vadd.s32 v16, v10;
	v6 =	vadd.s32 v6, v4;
	v4 =	vld [tilespmem:s1+$0x800]  }
0x12e: {  	v10 =	vadd.s32 v17, v5;
	v6 =	vadd.s32 v7, v6;
	v5 =	vld [tilespmem:s1+$0xA00]  }
0x12f: {  	s0 =	simm.s32 $0x12010;
	v7 =	vadd.s32 v18, v10;
	v8 =	vadd.s32 v8, v6;
	v6 =	vld [tilespmem:s1+$0xC00]  }
0x130: {  	s2 =	simm.s32 $0x0;
	s6 =	simm.s32 $0x11030;
	s7 =	simm.s32 $0x20;
	[tilespmem:s0+$0xFFFFFFF0] =	vst v7;
	v8 =	vadd.s32 v9, v8;
	v7 =	vld [tilespmem:s1+$0xE00]  }
.LBB2_14:
0x131: {  	v9 =	vld [tilespmem:s6+$0xFFFFEFF0];
	s1 =	sand.u32 $0x1E0, s7;
	s2 =	sadd.s32 $0x2, s2;
	v3 =	vadd.s32 v3, v8  }
0x132: {  	v8 =	vld [tilespmem:s1+$0x10200];
	p0 =	slt.u32 s2, $0x1E;
	v3 =	vadd.s32 v4, v3  }
0x133: {  	v4 =	vld [tilespmem:s1+$0x10400];
	v3 =	vadd.s32 v5, v3  }
0x134: {  	v5 =	vld [tilespmem:s1+$0x10600];
	v3 =	vadd.s32 v6, v3  }
0x135: {  	v6 =	vld [tilespmem:s1+$0x10800];
	v3 =	vadd.s32 v7, v3  }
0x136: {  	v7 =	vld [tilespmem:s1+$0x10A00];
	[tilespmem:s0+$0x0] =	vst v3  }
0x137: {  	v3 =	vadd.s32 v9, v8;
	v8 =	vld [tilespmem:s1+$0x10C00]  }
0x138: {  	v3 =	vadd.s32 v4, v3;
	v4 =	vld [tilespmem:s1+$0x10E00]  }
0x139: {  	v3 =	vadd.s32 v5, v3;
	v5 =	vld [tilespmem:s1+$0x11000]  }
0x13a: {  	v3 =	vadd.s32 v6, v3;
	v6 =	vld [tilespmem:s1+$0x11200]  }
0x13b: {  	v3 =	vadd.s32 v7, v3;
	v7 =	vld [tilespmem:s1+$0x11400]  }
0x13c: {  	v3 =	vadd.s32 v8, v3;
	v8 =	vld [tilespmem:s1+$0x11600]  }
0x13d: {  	v3 =	vadd.s32 v4, v3;
	v4 =	vld [tilespmem:s1+$0x11800]  }
0x13e: {  	v3 =	vadd.s32 v5, v3;
	v5 =	vld [tilespmem:s1+$0x11A00]  }
0x13f: {  	v3 =	vadd.s32 v6, v3;
	v6 =	vld [tilespmem:s1+$0x11C00]  }
0x140: {  	v3 =	vadd.s32 v7, v3;
	v7 =	vld [tilespmem:s1+$0x11E00]  }
0x141: {  	v3 =	vadd.s32 v8, v3;
	v8 =	vld [tilespmem:s6+$0xFFFFF000]  }
0x142: {  	v3 =	vadd.s32 v4, v3;
	v4 =	vld [tilespmem:s6+$0xFFFFF200]  }
0x143: {  	v3 =	vadd.s32 v5, v3;
	v5 =	vld [tilespmem:s6+$0xFFFFF400]  }
0x144: {  	v3 =	vadd.s32 v6, v3;
	v6 =	vld [tilespmem:s6+$0xFFFFF600]  }
0x145: {  	s0 =	sadd.s32 $0x20, s0;
	v3 =	vadd.s32 v7, v3;
	v7 =	vld [tilespmem:s6+$0xFFFFF800]  }
0x146: {  	[tilespmem:s0+$0xFFFFFFF0] =	vst v3;
	v3 =	vld [tilespmem:s6+$0xFFFFFA00]  }
0x147: {  	v4 =	vadd.s32 v8, v4;
	v8 =	vld [tilespmem:s6+$0xFFFFFC00]  }
0x148: {  	v4 =	vadd.s32 v5, v4;
	v5 =	vld [tilespmem:s6+$0xFFFFFE00]  }
0x149: {  	v4 =	vadd.s32 v6, v4;
	v6 =	vld [tilespmem:s6+$0x0]  }
0x14a: {  	v4 =	vadd.s32 v7, v4;
	v7 =	vld [tilespmem:s6+$0x200]  }
0x14b: {  	v3 =	vadd.s32 v3, v4;
	v9 =	vld [tilespmem:s6+$0x400]  }
.Ltmp6:
0x14c: {  	v4 =	vadd.s32 v8, v3;
	v3 =	vld [tilespmem:s6+$0x600];
	(pc) =	sbr.rel @p0 .LBB2_14-.Ltmp6, $4  }
0x14d: {  	v5 =	vadd.s32 v5, v4;
	v4 =	vld [tilespmem:s6+$0x800]  }
0x14e: {  	v6 =	vadd.s32 v6, v5;
	v5 =	vld [tilespmem:s6+$0xA00]  }
0x14f: {  	v7 =	vadd.s32 v7, v6;
	v6 =	vld [tilespmem:s6+$0xC00]  }
0x150: {  	s7 =	sadd.s32 $0x20, s7;
	v8 =	vadd.s32 v9, v7;
	v7 =	vld [tilespmem:s6+$0xE00];
	s6 =	sadd.s32 $0x20, s6  }
0x151: {  	v3 =	vadd.s32 v3, v8  }
0x152: {  	v3 =	vadd.s32 v4, v3  }
0x153: {  	v3 =	vadd.s32 v5, v3  }
0x154: {  	v3 =	vadd.s32 v6, v3  }
0x155: {  	v3 =	vadd.s32 v7, v3  }
0x156: {  	s1 =	simm.s32 $0x80;
	s2 =	simm.s32 $0x400;
	[tilespmem:s0+$0x0] =	vst v3  }
0x157: {  	s3 =	simm.s32 $0x12000;
	s29 =	simm.s32 $0x5;
	s0 =	rddreg [dreg:$0xe]  }
0x158: {  	[hbm4b:s0+s1] =	stream.strided.scatter [tilespmem:s3], [sflag:$0x5], $0x200, s2, s1, $0x38;
	[tilespmem:$0x12200] =	vst v63  }
0x159: {  	_ =	swait.ge [sflag:s29], $0x200  }
0x15a: {  	s30 =	rddreg [dreg:$0x10]  }
0x15b: {  	s31 =	rddreg [dreg:$0xf];
	s2 =	sadd.s32 $0x1, s30  }
0x15c: {  	p0 =	sne.s32 s2, s31  }
.Ltmp7:
0x15d: {  	_ = 	snop;
	(pc) =	sbr.rel @p0 .LBB2_1-.Ltmp7, $3  }
0x15e: {  	_ =	sdelay $0x1  }
0x15f: {  	[sflag:s29] =	ssyncset.done $0x0  }
0x160: {  	[sflag:s29] =	ssyncadd.s32 $0xFFFFFE00  }
0x161: {  	_ =	sfence.sel $0x180000  }
0x162: {  	[bflag:$0x0] =	sbarrier.arrive $0xFFFF  }
0x163: {  	_ =	strace $0x90000047  }
0x164: {  	s0 =	stileid.u32;
	[bflag:$0x2] =	sbarrier.arrive $0xFFFF  }
0x165: {  	p0 =	sne.s32 s0, $0x0;
	s0 =	rddreg [dreg:$0x3]  }
0x166: {  	s0 =	sadd.s32 @!p0 $0x100000, s0  }
0x167: {  	[sflag:s0] =	ssyncadd.tile.s32 @!p0 $0x1;
	_ =	shalt  }
.Lfunc_end2:
_tile_overlayer_lowered:
.L_overlay_start_2:
0x168: {  	(tag) =	ssettag $0x2  }
0x169: {  	s0 =	rddreg [dreg:$0x0];
	s2 =	stileid.u32  }
0x16a: {  	s1 =	rddreg [dreg:$0x1];
	p0 =	sne.s32 s2, $0x0  }
0x16b: {  	s3 =	rddreg [dreg:$0x2];
	[bflag:$0x3] =	sbarrier.arrive $0xFFFF;
	s2 =	simm.s32 @!p0 $0x1C05  }
0x16c: {  	[timem:s3], [sflag:s2] =	dma.local @!p0 [hbm:s0], s1  }
0x16d: {  	s0 =	simm.s32 @!p0 $0x5  }
0x16e: {  	_ =	swait.ge @!p0 [sflag:s0], s1  }
0x16f: {  	s1 =	ssub.s32 @!p0 $0x0, s1;
	[sflag:s0] =	ssyncset.done @!p0 $0x0  }
0x170: {  	[sflag:s0] =	ssyncadd.s32 @!p0 s1  }
0x171: {  	[bflag:$0x3] =	sbarrier.arrive $0xFFFF  }
0x172: {  	_ =	shalt  }

</sc_bundles>
